<compile_context>
chip_gen: v7x
topology: tpu7x:2x2x1
jax: 0.10.2.dev20260603
libtpu: 0.0.44.dev20260713+nightly
codegen_flags: <defaults>
</compile_context>

<pallas_src>
import functools

import jax
import jax.numpy as jnp
from jax import lax
from jax.experimental import pallas as pl
from jax.experimental.pallas import tpu as pltpu
from jax.experimental.pallas import tpu_sc as plsc

D = 64
K = 1024
ROWS = 512


def _prep_body(emb_ref, en_ref, enp_ref, esq_ref, niota_ref):
    e = emb_ref[...]
    n = jnp.sqrt(jnp.sum(e * e, axis=1, keepdims=True))
    en = e / jnp.maximum(n, 1e-12)
    en_ref[...] = en
    enp_ref[...] = jnp.concatenate(
        [en, jnp.zeros((K, 128 - D), jnp.float32)], axis=1)
    esq_ref[...] = jnp.transpose(
        jnp.sum(en * en, axis=1, keepdims=True), (1, 0))
    niota_ref[...] = lax.broadcasted_iota(
        jnp.int32, (1, K), 1).astype(jnp.float32)


def _prep(embedding):
    return pl.pallas_call(
        _prep_body,
        out_shape=[
            jax.ShapeDtypeStruct((K, D), jnp.float32),
            jax.ShapeDtypeStruct((K, 128), jnp.float32),
            jax.ShapeDtypeStruct((1, K), jnp.float32),
            jax.ShapeDtypeStruct((1, K), jnp.float32),
        ],
    )(embedding)


def _tc_body(nblocks, z_ref, en_ref, esq_ref, niota_ref, idx_ref, loss_ref,
             acc_ref):
    i = pl.program_id(0)

    @pl.when(i == 0)
    def _init():
        acc_ref[...] = jnp.zeros((1, 1), jnp.float32)

    z = z_ref[...]
    n = jnp.sqrt(jnp.sum(z * z, axis=1, keepdims=True))
    zn = z / jnp.maximum(n, 1e-12)
    znsq = jnp.sum(zn * zn, axis=1, keepdims=True)
    dot = lax.dot_general(zn, en_ref[...], (((1,), (1,)), ((), ())),
                          preferred_element_type=jnp.float32)
    d = (znsq - 2.0 * dot) + esq_ref[...]
    dmin = jnp.min(d, axis=1, keepdims=True)
    idxf = jnp.min(jnp.where(d == dmin, niota_ref[...], jnp.inf),
                   axis=1, keepdims=True)
    idx2 = jnp.reshape(idxf.astype(jnp.int32), (1, ROWS // 128, 128))
    idx_ref[0, pl.ds((i % 2) * (ROWS // 128), ROWS // 128), :] = idx2[0]
    acc_ref[...] += jnp.sum(dmin, axis=0, keepdims=True)

    @pl.when(i == nblocks - 1)
    def _fin():
        nrows = nblocks * ROWS
        loss_ref[...] = acc_ref[...] * (2.0 / (nrows * D))


def _tc_quantize(zf, en, esq, niota):
    n = zf.shape[0]
    nblocks = n // ROWS
    return pl.pallas_call(
        functools.partial(_tc_body, nblocks),
        grid=(nblocks,),
        in_specs=[
            pl.BlockSpec((ROWS, D), lambda i: (i, 0)),
            pl.BlockSpec((K, D), lambda i: (0, 0)),
            pl.BlockSpec((1, K), lambda i: (0, 0)),
            pl.BlockSpec((1, K), lambda i: (0, 0)),
        ],
        out_specs=[
            pl.BlockSpec((1, 8, 128), lambda i: (i // 2, 0, 0)),
            pl.BlockSpec((1, 1), lambda i: (0, 0)),
        ],
        out_shape=[
            jax.ShapeDtypeStruct((n // 1024, 8, 128), jnp.int32),
            jax.ShapeDtypeStruct((1, 1), jnp.float32),
        ],
        scratch_shapes=[
            pltpu.VMEM((1, 1), jnp.float32),
        ],
    )(zf, en, esq, niota)


_NC = 2
_NS = 16
_NW = _NC * _NS
_CHUNK = 128


def _sc_gather(enp, idx3):
    ch = idx3.shape[1]
    mesh = plsc.VectorSubcoreMesh(core_axis_name="c", subcore_axis_name="s")

    @functools.partial(
        pl.kernel, mesh=mesh,
        out_type=jax.ShapeDtypeStruct((_NW, ch, _CHUNK, 128), jnp.float32),
        scratch_types=[
            pltpu.VMEM((ch, _CHUNK), jnp.int32),
            pltpu.VMEM((4, _CHUNK, 128), jnp.float32),
            pltpu.SemaphoreType.DMA,
        ],
    )
    def gather(enp_hbm, idx_hbm, out_hbm, idx_v, rows_v, sem):
        wid = lax.axis_index("s") * _NC + lax.axis_index("c")
        pltpu.sync_copy(idx_hbm.at[wid], idx_v)
        for r in range(ch // 4):
            copies = [
                pltpu.async_copy(enp_hbm.at[idx_v.at[4 * r + j]],
                                 rows_v.at[j], sem)
                for j in range(4)
            ]
            for c in copies:
                c.wait()
            pltpu.sync_copy(rows_v, out_hbm.at[wid, pl.ds(4 * r, 4)])

    return gather(enp, idx3)


def kernel(z, embedding):
    b, hw, d = z.shape
    zf = z.reshape(-1, d)
    en, enp, esq, niota = _prep(embedding)
    idx3, loss11 = _tc_quantize(zf, en, esq, niota)
    zq = _sc_gather(enp, idx3)[..., :D].reshape(z.shape)
    loss = loss11.reshape(())
    return (zq, loss, idx3.reshape(b, hw))

# --- scband reference (transcript-rebuilt; emitter-appended) ---
"""Pipeline reference for scband-base-quantizer-26371099198043 (READ-ONLY COPY).

The authoritative reference and input builder live on the scoring server;
editing this copy changes nothing except your own understanding.
"""

import jax, jax.numpy as jnp
import numpy as np


def l2norm(x):
    n = jnp.linalg.norm(x, axis=-1, keepdims=True)
    return x / jnp.clip(n, 1e-12, None)


def setup_inputs(seed: int = 0) -> dict:
    key = jax.random.key(seed)
    k1, k2 = jax.random.split(key)
    z = jax.random.normal(k1, (32, 1024, 64), dtype=jnp.float32)
    # nn.Embedding(n_embed=1024, embed_dim=64) with weight.data.normal_()
    embedding = jax.random.normal(k2, (1024, 64), dtype=jnp.float32)
    return {"z": z, "embedding": embedding}


def reference(z, embedding):
    # Canonical VQ quantize (BaseQuantizer.quantize is abstract in the source;
    # this follows the standard normalized VQ used by its subclasses):
    # use_norm=True -> normalize both z and codebook along last dim.
    z_n = l2norm(z)
    e_n = l2norm(embedding)
    flat = z_n.reshape(-1, z_n.shape[-1])                      # [B*HW, D]
    # squared L2 distances to each code
    d = (jnp.sum(flat ** 2, axis=1, keepdims=True)
         - 2.0 * flat @ e_n.T
         + jnp.sum(e_n ** 2, axis=1)[None, :])                 # [B*HW, K]
    encoding_indices = jnp.argmin(d, axis=1)                   # [B*HW]
    z_q = jnp.take(e_n, encoding_indices, axis=0).reshape(z.shape)
    # VQ loss: codebook + commitment terms
    loss = (jnp.mean((jax.lax.stop_gradient(z_q) - z_n) ** 2)
            + jnp.mean((z_q - jax.lax.stop_gradient(z_n)) ** 2))
    # straight_through=True: z_q = z + (z_q - z).detach()
    z_q_st = z + jax.lax.stop_gradient(z_q - z)
    idx = encoding_indices.reshape(z.shape[:-1])
    return (z_q_st, loss, idx)

if __name__ == "__main__":
    import jax
    _d = setup_inputs()
    print(jax.jit(kernel)(*tuple(_d.values())))

</pallas_src>

<mosaic_0001>
#map = affine_map<(d0, d1) -> (0, 0)>
#map1 = affine_map<(d0, d1) -> (0, 0, 0)>
#map2 = affine_map<(d0, d1) -> (0, 0, 0, 0)>
module attributes {stable_mosaic.version = 14 : i64} {
  func.func @gather(%arg0: i32, %arg1: i32, %arg2: memref<1024x128xf32, #tpu.memory_space<hbm>>, %arg3: memref<32x8x128xi32, #tpu.memory_space<hbm>>, %arg4: memref<32x8x128x128xf32, #tpu.memory_space<hbm>>, %arg5: memref<8x128xi32, #tpu.memory_space<vmem>>, %arg6: memref<4x128x128xf32, #tpu.memory_space<vmem>>, %arg7: memref<!tpu.dma_semaphore, #tpu.memory_space<semaphore_mem>>) attributes {dimension_semantics = [#tpu.dimension_semantics<core_parallel>, #tpu.dimension_semantics<subcore_parallel>], iteration_bounds = array<i64: 2, 16>, scalar_prefetch = 0 : i64, scratch_operands = 3 : i64, tpu.core_type = #tpu.core_type<sc_vector_subcore>, window_params = [{transform_indices = #map}, {transform_indices = #map1}, {transform_indices = #map2}]} {
    %mul3A = arith.constant 2 : i32
    %mul3A_0 = arith.muli %arg1, %mul3A : i32
    %add3A = arith.addi %mul3A_0, %arg0 : i32
    "tpu.region"() ({
      %run_scoped3A = tpu.sem_alloc : memref<!tpu.dma_semaphore, #tpu.memory_space<semaphore_mem>>
      %dma_start3A_191 = arith.constant 0 : i32
      %dma_start3A_192 = arith.constant 0 : i32
      %dma_start3A_193 = tpu.memref_slice %arg3[%add3A, %dma_start3A_191, %dma_start3A_192] : memref<32x8x128xi32, #tpu.memory_space<hbm>> -> memref<1x8x128xi32, #tpu.memory_space<hbm>>
      %dma_start3A_194 = tpu.memref_squeeze %dma_start3A_193 : memref<1x8x128xi32, #tpu.memory_space<hbm>> -> memref<8x128xi32, #tpu.memory_space<hbm>>
      %dma_start3A_195 = arith.constant 0 : i32
      %dma_start3A_196 = arith.constant 0 : i32
      %dma_start3A_197 = tpu.memref_slice %arg3[%add3A, %dma_start3A_195, %dma_start3A_196] : memref<32x8x128xi32, #tpu.memory_space<hbm>> -> memref<1x8x128xi32, #tpu.memory_space<hbm>>
      %dma_start3A_198 = tpu.memref_squeeze %dma_start3A_197 : memref<1x8x128xi32, #tpu.memory_space<hbm>> -> memref<8x128xi32, #tpu.memory_space<hbm>>
      tpu.enqueue_dma source(%dma_start3A_198 : memref<8x128xi32, #tpu.memory_space<hbm>>) target(%arg5 : memref<8x128xi32, #tpu.memory_space<vmem>>) target_semaphore(%run_scoped3A : memref<!tpu.dma_semaphore, #tpu.memory_space<semaphore_mem>>)
      %dma_wait3A_199 = arith.constant 0 : i32
      %dma_wait3A_200 = arith.constant 0 : i32
      %dma_wait3A_201 = tpu.memref_slice %arg3[%add3A, %dma_wait3A_199, %dma_wait3A_200] : memref<32x8x128xi32, #tpu.memory_space<hbm>> -> memref<1x8x128xi32, #tpu.memory_space<hbm>>
      %dma_wait3A_202 = tpu.memref_squeeze %dma_wait3A_201 : memref<1x8x128xi32, #tpu.memory_space<hbm>> -> memref<8x128xi32, #tpu.memory_space<hbm>>
      %dma_wait3A_203 = arith.constant 0 : i32
      %dma_wait3A_204 = arith.constant 0 : i32
      %dma_wait3A_205 = tpu.memref_slice %arg3[%add3A, %dma_wait3A_203, %dma_wait3A_204] : memref<32x8x128xi32, #tpu.memory_space<hbm>> -> memref<1x8x128xi32, #tpu.memory_space<hbm>>
      %dma_wait3A_206 = tpu.memref_squeeze %dma_wait3A_205 : memref<1x8x128xi32, #tpu.memory_space<hbm>> -> memref<8x128xi32, #tpu.memory_space<hbm>>
      tpu.wait_dma2 semaphore(%run_scoped3A : memref<!tpu.dma_semaphore, #tpu.memory_space<semaphore_mem>>) src(%dma_wait3A_206 : memref<8x128xi32, #tpu.memory_space<hbm>>) dst(%arg5 : memref<8x128xi32, #tpu.memory_space<vmem>>)
      tpu.yield
    }) : () -> ()
    %dma_start3A = arith.constant 0 : i32
    %dma_start3A_1 = arith.constant 0 : i32
    %dma_start3A_2 = arith.constant 0 : i32
    %dma_start3A_3 = arith.constant 0 : i32
    %dma_start3A_4 = tpu.memref_slice %arg6[%dma_start3A_1, %dma_start3A_2, %dma_start3A_3] : memref<4x128x128xf32, #tpu.memory_space<vmem>> -> memref<1x128x128xf32, #tpu.memory_space<vmem>>
    %dma_start3A_5 = tpu.memref_squeeze %dma_start3A_4 : memref<1x128x128xf32, #tpu.memory_space<vmem>> -> memref<128x128xf32, #tpu.memory_space<vmem>>
    %dma_start3A_6 = arith.constant 0 : i32
    %dma_start3A_7 = tpu.memref_slice %arg5[%dma_start3A, %dma_start3A_6] : memref<8x128xi32, #tpu.memory_space<vmem>> -> memref<1x128xi32, #tpu.memory_space<vmem>>
    %dma_start3A_8 = tpu.memref_squeeze %dma_start3A_7 : memref<1x128xi32, #tpu.memory_space<vmem>> -> memref<128xi32, #tpu.memory_space<vmem>>
    %dma_start3A_9 = arith.constant 0 : i32
    %dma_start3A_10 = arith.constant 0 : i32
    %dma_start3A_11 = tpu.memref_slice %arg2[%dma_start3A_9, %dma_start3A_10] : memref<1024x128xf32, #tpu.memory_space<hbm>> -> memref<1024x128xf32, #tpu.memory_space<hbm>>
    tpu.enqueue_indirect_dma source(%dma_start3A_11 : memref<1024x128xf32, #tpu.memory_space<hbm>>) target(%dma_start3A_5 : memref<128x128xf32, #tpu.memory_space<vmem>>) offsets(%dma_start3A_8 : memref<128xi32, #tpu.memory_space<vmem>>) semaphore(%arg7 : memref<!tpu.dma_semaphore, #tpu.memory_space<semaphore_mem>>)
    %dma_start3A_12 = arith.constant 1 : i32
    %dma_start3A_13 = arith.constant 1 : i32
    %dma_start3A_14 = arith.constant 0 : i32
    %dma_start3A_15 = arith.constant 0 : i32
    %dma_start3A_16 = tpu.memref_slice %arg6[%dma_start3A_13, %dma_start3A_14, %dma_start3A_15] : memref<4x128x128xf32, #tpu.memory_space<vmem>> -> memref<1x128x128xf32, #tpu.memory_space<vmem>>
    %dma_start3A_17 = tpu.memref_squeeze %dma_start3A_16 : memref<1x128x128xf32, #tpu.memory_space<vmem>> -> memref<128x128xf32, #tpu.memory_space<vmem>>
    %dma_start3A_18 = arith.constant 0 : i32
    %dma_start3A_19 = tpu.memref_slice %arg5[%dma_start3A_12, %dma_start3A_18] : memref<8x128xi32, #tpu.memory_space<vmem>> -> memref<1x128xi32, #tpu.memory_space<vmem>>
    %dma_start3A_20 = tpu.memref_squeeze %dma_start3A_19 : memref<1x128xi32, #tpu.memory_space<vmem>> -> memref<128xi32, #tpu.memory_space<vmem>>
    %dma_start3A_21 = arith.constant 0 : i32
    %dma_start3A_22 = arith.constant 0 : i32
    %dma_start3A_23 = tpu.memref_slice %arg2[%dma_start3A_21, %dma_start3A_22] : memref<1024x128xf32, #tpu.memory_space<hbm>> -> memref<1024x128xf32, #tpu.memory_space<hbm>>
    tpu.enqueue_indirect_dma source(%dma_start3A_23 : memref<1024x128xf32, #tpu.memory_space<hbm>>) target(%dma_start3A_17 : memref<128x128xf32, #tpu.memory_space<vmem>>) offsets(%dma_start3A_20 : memref<128xi32, #tpu.memory_space<vmem>>) semaphore(%arg7 : memref<!tpu.dma_semaphore, #tpu.memory_space<semaphore_mem>>)
    %dma_start3A_24 = arith.constant 2 : i32
    %dma_start3A_25 = arith.constant 2 : i32
    %dma_start3A_26 = arith.constant 0 : i32
    %dma_start3A_27 = arith.constant 0 : i32
    %dma_start3A_28 = tpu.memref_slice %arg6[%dma_start3A_25, %dma_start3A_26, %dma_start3A_27] : memref<4x128x128xf32, #tpu.memory_space<vmem>> -> memref<1x128x128xf32, #tpu.memory_space<vmem>>
    %dma_start3A_29 = tpu.memref_squeeze %dma_start3A_28 : memref<1x128x128xf32, #tpu.memory_space<vmem>> -> memref<128x128xf32, #tpu.memory_space<vmem>>
    %dma_start3A_30 = arith.constant 0 : i32
    %dma_start3A_31 = tpu.memref_slice %arg5[%dma_start3A_24, %dma_start3A_30] : memref<8x128xi32, #tpu.memory_space<vmem>> -> memref<1x128xi32, #tpu.memory_space<vmem>>
    %dma_start3A_32 = tpu.memref_squeeze %dma_start3A_31 : memref<1x128xi32, #tpu.memory_space<vmem>> -> memref<128xi32, #tpu.memory_space<vmem>>
    %dma_start3A_33 = arith.constant 0 : i32
    %dma_start3A_34 = arith.constant 0 : i32
    %dma_start3A_35 = tpu.memref_slice %arg2[%dma_start3A_33, %dma_start3A_34] : memref<1024x128xf32, #tpu.memory_space<hbm>> -> memref<1024x128xf32, #tpu.memory_space<hbm>>
    tpu.enqueue_indirect_dma source(%dma_start3A_35 : memref<1024x128xf32, #tpu.memory_space<hbm>>) target(%dma_start3A_29 : memref<128x128xf32, #tpu.memory_space<vmem>>) offsets(%dma_start3A_32 : memref<128xi32, #tpu.memory_space<vmem>>) semaphore(%arg7 : memref<!tpu.dma_semaphore, #tpu.memory_space<semaphore_mem>>)
    %dma_start3A_36 = arith.constant 3 : i32
    %dma_start3A_37 = arith.constant 3 : i32
    %dma_start3A_38 = arith.constant 0 : i32
    %dma_start3A_39 = arith.constant 0 : i32
    %dma_start3A_40 = tpu.memref_slice %arg6[%dma_start3A_37, %dma_start3A_38, %dma_start3A_39] : memref<4x128x128xf32, #tpu.memory_space<vmem>> -> memref<1x128x128xf32, #tpu.memory_space<vmem>>
    %dma_start3A_41 = tpu.memref_squeeze %dma_start3A_40 : memref<1x128x128xf32, #tpu.memory_space<vmem>> -> memref<128x128xf32, #tpu.memory_space<vmem>>
    %dma_start3A_42 = arith.constant 0 : i32
    %dma_start3A_43 = tpu.memref_slice %arg5[%dma_start3A_36, %dma_start3A_42] : memref<8x128xi32, #tpu.memory_space<vmem>> -> memref<1x128xi32, #tpu.memory_space<vmem>>
    %dma_start3A_44 = tpu.memref_squeeze %dma_start3A_43 : memref<1x128xi32, #tpu.memory_space<vmem>> -> memref<128xi32, #tpu.memory_space<vmem>>
    %dma_start3A_45 = arith.constant 0 : i32
    %dma_start3A_46 = arith.constant 0 : i32
    %dma_start3A_47 = tpu.memref_slice %arg2[%dma_start3A_45, %dma_start3A_46] : memref<1024x128xf32, #tpu.memory_space<hbm>> -> memref<1024x128xf32, #tpu.memory_space<hbm>>
    tpu.enqueue_indirect_dma source(%dma_start3A_47 : memref<1024x128xf32, #tpu.memory_space<hbm>>) target(%dma_start3A_41 : memref<128x128xf32, #tpu.memory_space<vmem>>) offsets(%dma_start3A_44 : memref<128xi32, #tpu.memory_space<vmem>>) semaphore(%arg7 : memref<!tpu.dma_semaphore, #tpu.memory_space<semaphore_mem>>)
    %dma_wait3A = arith.constant 0 : i32
    %dma_wait3A_48 = arith.constant 0 : i32
    %dma_wait3A_49 = arith.constant 0 : i32
    %dma_wait3A_50 = arith.constant 0 : i32
    %dma_wait3A_51 = tpu.memref_slice %arg6[%dma_wait3A_48, %dma_wait3A_49, %dma_wait3A_50] : memref<4x128x128xf32, #tpu.memory_space<vmem>> -> memref<1x128x128xf32, #tpu.memory_space<vmem>>
    %dma_wait3A_52 = tpu.memref_squeeze %dma_wait3A_51 : memref<1x128x128xf32, #tpu.memory_space<vmem>> -> memref<128x128xf32, #tpu.memory_space<vmem>>
    %dma_wait3A_53 = arith.constant 0 : i32
    %dma_wait3A_54 = tpu.memref_slice %arg5[%dma_wait3A, %dma_wait3A_53] : memref<8x128xi32, #tpu.memory_space<vmem>> -> memref<1x128xi32, #tpu.memory_space<vmem>>
    %dma_wait3A_55 = tpu.memref_squeeze %dma_wait3A_54 : memref<1x128xi32, #tpu.memory_space<vmem>> -> memref<128xi32, #tpu.memory_space<vmem>>
    %dma_wait3A_56 = arith.constant 0 : i32
    %dma_wait3A_57 = arith.constant 0 : i32
    %dma_wait3A_58 = tpu.memref_slice %arg2[%dma_wait3A_56, %dma_wait3A_57] : memref<1024x128xf32, #tpu.memory_space<hbm>> -> memref<1024x128xf32, #tpu.memory_space<hbm>>
    tpu.wait_indirect_dma semaphore(%arg7 : memref<!tpu.dma_semaphore, #tpu.memory_space<semaphore_mem>>) src(%dma_wait3A_58 : memref<1024x128xf32, #tpu.memory_space<hbm>>) dst(%dma_wait3A_52 : memref<128x128xf32, #tpu.memory_space<vmem>>)
    %dma_wait3A_59 = arith.constant 1 : i32
    %dma_wait3A_60 = arith.constant 1 : i32
    %dma_wait3A_61 = arith.constant 0 : i32
    %dma_wait3A_62 = arith.constant 0 : i32
    %dma_wait3A_63 = tpu.memref_slice %arg6[%dma_wait3A_60, %dma_wait3A_61, %dma_wait3A_62] : memref<4x128x128xf32, #tpu.memory_space<vmem>> -> memref<1x128x128xf32, #tpu.memory_space<vmem>>
    %dma_wait3A_64 = tpu.memref_squeeze %dma_wait3A_63 : memref<1x128x128xf32, #tpu.memory_space<vmem>> -> memref<128x128xf32, #tpu.memory_space<vmem>>
    %dma_wait3A_65 = arith.constant 0 : i32
    %dma_wait3A_66 = tpu.memref_slice %arg5[%dma_wait3A_59, %dma_wait3A_65] : memref<8x128xi32, #tpu.memory_space<vmem>> -> memref<1x128xi32, #tpu.memory_space<vmem>>
    %dma_wait3A_67 = tpu.memref_squeeze %dma_wait3A_66 : memref<1x128xi32, #tpu.memory_space<vmem>> -> memref<128xi32, #tpu.memory_space<vmem>>
    %dma_wait3A_68 = arith.constant 0 : i32
    %dma_wait3A_69 = arith.constant 0 : i32
    %dma_wait3A_70 = tpu.memref_slice %arg2[%dma_wait3A_68, %dma_wait3A_69] : memref<1024x128xf32, #tpu.memory_space<hbm>> -> memref<1024x128xf32, #tpu.memory_space<hbm>>
    tpu.wait_indirect_dma semaphore(%arg7 : memref<!tpu.dma_semaphore, #tpu.memory_space<semaphore_mem>>) src(%dma_wait3A_70 : memref<1024x128xf32, #tpu.memory_space<hbm>>) dst(%dma_wait3A_64 : memref<128x128xf32, #tpu.memory_space<vmem>>)
    %dma_wait3A_71 = arith.constant 2 : i32
    %dma_wait3A_72 = arith.constant 2 : i32
    %dma_wait3A_73 = arith.constant 0 : i32
    %dma_wait3A_74 = arith.constant 0 : i32
    %dma_wait3A_75 = tpu.memref_slice %arg6[%dma_wait3A_72, %dma_wait3A_73, %dma_wait3A_74] : memref<4x128x128xf32, #tpu.memory_space<vmem>> -> memref<1x128x128xf32, #tpu.memory_space<vmem>>
    %dma_wait3A_76 = tpu.memref_squeeze %dma_wait3A_75 : memref<1x128x128xf32, #tpu.memory_space<vmem>> -> memref<128x128xf32, #tpu.memory_space<vmem>>
    %dma_wait3A_77 = arith.constant 0 : i32
    %dma_wait3A_78 = tpu.memref_slice %arg5[%dma_wait3A_71, %dma_wait3A_77] : memref<8x128xi32, #tpu.memory_space<vmem>> -> memref<1x128xi32, #tpu.memory_space<vmem>>
    %dma_wait3A_79 = tpu.memref_squeeze %dma_wait3A_78 : memref<1x128xi32, #tpu.memory_space<vmem>> -> memref<128xi32, #tpu.memory_space<vmem>>
    %dma_wait3A_80 = arith.constant 0 : i32
    %dma_wait3A_81 = arith.constant 0 : i32
    %dma_wait3A_82 = tpu.memref_slice %arg2[%dma_wait3A_80, %dma_wait3A_81] : memref<1024x128xf32, #tpu.memory_space<hbm>> -> memref<1024x128xf32, #tpu.memory_space<hbm>>
    tpu.wait_indirect_dma semaphore(%arg7 : memref<!tpu.dma_semaphore, #tpu.memory_space<semaphore_mem>>) src(%dma_wait3A_82 : memref<1024x128xf32, #tpu.memory_space<hbm>>) dst(%dma_wait3A_76 : memref<128x128xf32, #tpu.memory_space<vmem>>)
    %dma_wait3A_83 = arith.constant 3 : i32
    %dma_wait3A_84 = arith.constant 3 : i32
    %dma_wait3A_85 = arith.constant 0 : i32
    %dma_wait3A_86 = arith.constant 0 : i32
    %dma_wait3A_87 = tpu.memref_slice %arg6[%dma_wait3A_84, %dma_wait3A_85, %dma_wait3A_86] : memref<4x128x128xf32, #tpu.memory_space<vmem>> -> memref<1x128x128xf32, #tpu.memory_space<vmem>>
    %dma_wait3A_88 = tpu.memref_squeeze %dma_wait3A_87 : memref<1x128x128xf32, #tpu.memory_space<vmem>> -> memref<128x128xf32, #tpu.memory_space<vmem>>
    %dma_wait3A_89 = arith.constant 0 : i32
    %dma_wait3A_90 = tpu.memref_slice %arg5[%dma_wait3A_83, %dma_wait3A_89] : memref<8x128xi32, #tpu.memory_space<vmem>> -> memref<1x128xi32, #tpu.memory_space<vmem>>
    %dma_wait3A_91 = tpu.memref_squeeze %dma_wait3A_90 : memref<1x128xi32, #tpu.memory_space<vmem>> -> memref<128xi32, #tpu.memory_space<vmem>>
    %dma_wait3A_92 = arith.constant 0 : i32
    %dma_wait3A_93 = arith.constant 0 : i32
    %dma_wait3A_94 = tpu.memref_slice %arg2[%dma_wait3A_92, %dma_wait3A_93] : memref<1024x128xf32, #tpu.memory_space<hbm>> -> memref<1024x128xf32, #tpu.memory_space<hbm>>
    tpu.wait_indirect_dma semaphore(%arg7 : memref<!tpu.dma_semaphore, #tpu.memory_space<semaphore_mem>>) src(%dma_wait3A_94 : memref<1024x128xf32, #tpu.memory_space<hbm>>) dst(%dma_wait3A_88 : memref<128x128xf32, #tpu.memory_space<vmem>>)
    "tpu.region"() ({
      %run_scoped3A = tpu.sem_alloc : memref<!tpu.dma_semaphore, #tpu.memory_space<semaphore_mem>>
      %dma_start3A_191 = arith.constant 0 : i32
      %dma_start3A_192 = arith.constant 0 : i32
      %dma_start3A_193 = arith.constant 0 : i32
      %dma_start3A_194 = tpu.memref_slice %arg4[%add3A, %dma_start3A_191, %dma_start3A_192, %dma_start3A_193] : memref<32x8x128x128xf32, #tpu.memory_space<hbm>> -> memref<1x4x128x128xf32, #tpu.memory_space<hbm>>
      %dma_start3A_195 = tpu.memref_squeeze %dma_start3A_194 : memref<1x4x128x128xf32, #tpu.memory_space<hbm>> -> memref<4x128x128xf32, #tpu.memory_space<hbm>>
      %dma_start3A_196 = arith.constant 0 : i32
      %dma_start3A_197 = arith.constant 0 : i32
      %dma_start3A_198 = arith.constant 0 : i32
      %dma_start3A_199 = tpu.memref_slice %arg4[%add3A, %dma_start3A_196, %dma_start3A_197, %dma_start3A_198] : memref<32x8x128x128xf32, #tpu.memory_space<hbm>> -> memref<1x4x128x128xf32, #tpu.memory_space<hbm>>
      %dma_start3A_200 = tpu.memref_squeeze %dma_start3A_199 : memref<1x4x128x128xf32, #tpu.memory_space<hbm>> -> memref<4x128x128xf32, #tpu.memory_space<hbm>>
      tpu.enqueue_dma source(%arg6 : memref<4x128x128xf32, #tpu.memory_space<vmem>>) target(%dma_start3A_200 : memref<4x128x128xf32, #tpu.memory_space<hbm>>) target_semaphore(%run_scoped3A : memref<!tpu.dma_semaphore, #tpu.memory_space<semaphore_mem>>)
      %dma_wait3A_201 = arith.constant 0 : i32
      %dma_wait3A_202 = arith.constant 0 : i32
      %dma_wait3A_203 = arith.constant 0 : i32
      %dma_wait3A_204 = tpu.memref_slice %arg4[%add3A, %dma_wait3A_201, %dma_wait3A_202, %dma_wait3A_203] : memref<32x8x128x128xf32, #tpu.memory_space<hbm>> -> memref<1x4x128x128xf32, #tpu.memory_space<hbm>>
      %dma_wait3A_205 = tpu.memref_squeeze %dma_wait3A_204 : memref<1x4x128x128xf32, #tpu.memory_space<hbm>> -> memref<4x128x128xf32, #tpu.memory_space<hbm>>
      %dma_wait3A_206 = arith.constant 0 : i32
      %dma_wait3A_207 = arith.constant 0 : i32
      %dma_wait3A_208 = arith.constant 0 : i32
      %dma_wait3A_209 = tpu.memref_slice %arg4[%add3A, %dma_wait3A_206, %dma_wait3A_207, %dma_wait3A_208] : memref<32x8x128x128xf32, #tpu.memory_space<hbm>> -> memref<1x4x128x128xf32, #tpu.memory_space<hbm>>
      %dma_wait3A_210 = tpu.memref_squeeze %dma_wait3A_209 : memref<1x4x128x128xf32, #tpu.memory_space<hbm>> -> memref<4x128x128xf32, #tpu.memory_space<hbm>>
      tpu.wait_dma2 semaphore(%run_scoped3A : memref<!tpu.dma_semaphore, #tpu.memory_space<semaphore_mem>>) src(%arg6 : memref<4x128x128xf32, #tpu.memory_space<vmem>>) dst(%dma_wait3A_210 : memref<4x128x128xf32, #tpu.memory_space<hbm>>)
      tpu.yield
    }) : () -> ()
    %dma_start3A_95 = arith.constant 4 : i32
    %dma_start3A_96 = arith.constant 0 : i32
    %dma_start3A_97 = arith.constant 0 : i32
    %dma_start3A_98 = arith.constant 0 : i32
    %dma_start3A_99 = tpu.memref_slice %arg6[%dma_start3A_96, %dma_start3A_97, %dma_start3A_98] : memref<4x128x128xf32, #tpu.memory_space<vmem>> -> memref<1x128x128xf32, #tpu.memory_space<vmem>>
    %dma_start3A_100 = tpu.memref_squeeze %dma_start3A_99 : memref<1x128x128xf32, #tpu.memory_space<vmem>> -> memref<128x128xf32, #tpu.memory_space<vmem>>
    %dma_start3A_101 = arith.constant 0 : i32
    %dma_start3A_102 = tpu.memref_slice %arg5[%dma_start3A_95, %dma_start3A_101] : memref<8x128xi32, #tpu.memory_space<vmem>> -> memref<1x128xi32, #tpu.memory_space<vmem>>
    %dma_start3A_103 = tpu.memref_squeeze %dma_start3A_102 : memref<1x128xi32, #tpu.memory_space<vmem>> -> memref<128xi32, #tpu.memory_space<vmem>>
    %dma_start3A_104 = arith.constant 0 : i32
    %dma_start3A_105 = arith.constant 0 : i32
    %dma_start3A_106 = tpu.memref_slice %arg2[%dma_start3A_104, %dma_start3A_105] : memref<1024x128xf32, #tpu.memory_space<hbm>> -> memref<1024x128xf32, #tpu.memory_space<hbm>>
    tpu.enqueue_indirect_dma source(%dma_start3A_106 : memref<1024x128xf32, #tpu.memory_space<hbm>>) target(%dma_start3A_100 : memref<128x128xf32, #tpu.memory_space<vmem>>) offsets(%dma_start3A_103 : memref<128xi32, #tpu.memory_space<vmem>>) semaphore(%arg7 : memref<!tpu.dma_semaphore, #tpu.memory_space<semaphore_mem>>)
    %dma_start3A_107 = arith.constant 5 : i32
    %dma_start3A_108 = arith.constant 1 : i32
    %dma_start3A_109 = arith.constant 0 : i32
    %dma_start3A_110 = arith.constant 0 : i32
    %dma_start3A_111 = tpu.memref_slice %arg6[%dma_start3A_108, %dma_start3A_109, %dma_start3A_110] : memref<4x128x128xf32, #tpu.memory_space<vmem>> -> memref<1x128x128xf32, #tpu.memory_space<vmem>>
    %dma_start3A_112 = tpu.memref_squeeze %dma_start3A_111 : memref<1x128x128xf32, #tpu.memory_space<vmem>> -> memref<128x128xf32, #tpu.memory_space<vmem>>
    %dma_start3A_113 = arith.constant 0 : i32
    %dma_start3A_114 = tpu.memref_slice %arg5[%dma_start3A_107, %dma_start3A_113] : memref<8x128xi32, #tpu.memory_space<vmem>> -> memref<1x128xi32, #tpu.memory_space<vmem>>
    %dma_start3A_115 = tpu.memref_squeeze %dma_start3A_114 : memref<1x128xi32, #tpu.memory_space<vmem>> -> memref<128xi32, #tpu.memory_space<vmem>>
    %dma_start3A_116 = arith.constant 0 : i32
    %dma_start3A_117 = arith.constant 0 : i32
    %dma_start3A_118 = tpu.memref_slice %arg2[%dma_start3A_116, %dma_start3A_117] : memref<1024x128xf32, #tpu.memory_space<hbm>> -> memref<1024x128xf32, #tpu.memory_space<hbm>>
    tpu.enqueue_indirect_dma source(%dma_start3A_118 : memref<1024x128xf32, #tpu.memory_space<hbm>>) target(%dma_start3A_112 : memref<128x128xf32, #tpu.memory_space<vmem>>) offsets(%dma_start3A_115 : memref<128xi32, #tpu.memory_space<vmem>>) semaphore(%arg7 : memref<!tpu.dma_semaphore, #tpu.memory_space<semaphore_mem>>)
    %dma_start3A_119 = arith.constant 6 : i32
    %dma_start3A_120 = arith.constant 2 : i32
    %dma_start3A_121 = arith.constant 0 : i32
    %dma_start3A_122 = arith.constant 0 : i32
    %dma_start3A_123 = tpu.memref_slice %arg6[%dma_start3A_120, %dma_start3A_121, %dma_start3A_122] : memref<4x128x128xf32, #tpu.memory_space<vmem>> -> memref<1x128x128xf32, #tpu.memory_space<vmem>>
    %dma_start3A_124 = tpu.memref_squeeze %dma_start3A_123 : memref<1x128x128xf32, #tpu.memory_space<vmem>> -> memref<128x128xf32, #tpu.memory_space<vmem>>
    %dma_start3A_125 = arith.constant 0 : i32
    %dma_start3A_126 = tpu.memref_slice %arg5[%dma_start3A_119, %dma_start3A_125] : memref<8x128xi32, #tpu.memory_space<vmem>> -> memref<1x128xi32, #tpu.memory_space<vmem>>
    %dma_start3A_127 = tpu.memref_squeeze %dma_start3A_126 : memref<1x128xi32, #tpu.memory_space<vmem>> -> memref<128xi32, #tpu.memory_space<vmem>>
    %dma_start3A_128 = arith.constant 0 : i32
    %dma_start3A_129 = arith.constant 0 : i32
    %dma_start3A_130 = tpu.memref_slice %arg2[%dma_start3A_128, %dma_start3A_129] : memref<1024x128xf32, #tpu.memory_space<hbm>> -> memref<1024x128xf32, #tpu.memory_space<hbm>>
    tpu.enqueue_indirect_dma source(%dma_start3A_130 : memref<1024x128xf32, #tpu.memory_space<hbm>>) target(%dma_start3A_124 : memref<128x128xf32, #tpu.memory_space<vmem>>) offsets(%dma_start3A_127 : memref<128xi32, #tpu.memory_space<vmem>>) semaphore(%arg7 : memref<!tpu.dma_semaphore, #tpu.memory_space<semaphore_mem>>)
    %dma_start3A_131 = arith.constant 7 : i32
    %dma_start3A_132 = arith.constant 3 : i32
    %dma_start3A_133 = arith.constant 0 : i32
    %dma_start3A_134 = arith.constant 0 : i32
    %dma_start3A_135 = tpu.memref_slice %arg6[%dma_start3A_132, %dma_start3A_133, %dma_start3A_134] : memref<4x128x128xf32, #tpu.memory_space<vmem>> -> memref<1x128x128xf32, #tpu.memory_space<vmem>>
    %dma_start3A_136 = tpu.memref_squeeze %dma_start3A_135 : memref<1x128x128xf32, #tpu.memory_space<vmem>> -> memref<128x128xf32, #tpu.memory_space<vmem>>
    %dma_start3A_137 = arith.constant 0 : i32
    %dma_start3A_138 = tpu.memref_slice %arg5[%dma_start3A_131, %dma_start3A_137] : memref<8x128xi32, #tpu.memory_space<vmem>> -> memref<1x128xi32, #tpu.memory_space<vmem>>
    %dma_start3A_139 = tpu.memref_squeeze %dma_start3A_138 : memref<1x128xi32, #tpu.memory_space<vmem>> -> memref<128xi32, #tpu.memory_space<vmem>>
    %dma_start3A_140 = arith.constant 0 : i32
    %dma_start3A_141 = arith.constant 0 : i32
    %dma_start3A_142 = tpu.memref_slice %arg2[%dma_start3A_140, %dma_start3A_141] : memref<1024x128xf32, #tpu.memory_space<hbm>> -> memref<1024x128xf32, #tpu.memory_space<hbm>>
    tpu.enqueue_indirect_dma source(%dma_start3A_142 : memref<1024x128xf32, #tpu.memory_space<hbm>>) target(%dma_start3A_136 : memref<128x128xf32, #tpu.memory_space<vmem>>) offsets(%dma_start3A_139 : memref<128xi32, #tpu.memory_space<vmem>>) semaphore(%arg7 : memref<!tpu.dma_semaphore, #tpu.memory_space<semaphore_mem>>)
    %dma_wait3A_143 = arith.constant 4 : i32
    %dma_wait3A_144 = arith.constant 0 : i32
    %dma_wait3A_145 = arith.constant 0 : i32
    %dma_wait3A_146 = arith.constant 0 : i32
    %dma_wait3A_147 = tpu.memref_slice %arg6[%dma_wait3A_144, %dma_wait3A_145, %dma_wait3A_146] : memref<4x128x128xf32, #tpu.memory_space<vmem>> -> memref<1x128x128xf32, #tpu.memory_space<vmem>>
    %dma_wait3A_148 = tpu.memref_squeeze %dma_wait3A_147 : memref<1x128x128xf32, #tpu.memory_space<vmem>> -> memref<128x128xf32, #tpu.memory_space<vmem>>
    %dma_wait3A_149 = arith.constant 0 : i32
    %dma_wait3A_150 = tpu.memref_slice %arg5[%dma_wait3A_143, %dma_wait3A_149] : memref<8x128xi32, #tpu.memory_space<vmem>> -> memref<1x128xi32, #tpu.memory_space<vmem>>
    %dma_wait3A_151 = tpu.memref_squeeze %dma_wait3A_150 : memref<1x128xi32, #tpu.memory_space<vmem>> -> memref<128xi32, #tpu.memory_space<vmem>>
    %dma_wait3A_152 = arith.constant 0 : i32
    %dma_wait3A_153 = arith.constant 0 : i32
    %dma_wait3A_154 = tpu.memref_slice %arg2[%dma_wait3A_152, %dma_wait3A_153] : memref<1024x128xf32, #tpu.memory_space<hbm>> -> memref<1024x128xf32, #tpu.memory_space<hbm>>
    tpu.wait_indirect_dma semaphore(%arg7 : memref<!tpu.dma_semaphore, #tpu.memory_space<semaphore_mem>>) src(%dma_wait3A_154 : memref<1024x128xf32, #tpu.memory_space<hbm>>) dst(%dma_wait3A_148 : memref<128x128xf32, #tpu.memory_space<vmem>>)
    %dma_wait3A_155 = arith.constant 5 : i32
    %dma_wait3A_156 = arith.constant 1 : i32
    %dma_wait3A_157 = arith.constant 0 : i32
    %dma_wait3A_158 = arith.constant 0 : i32
    %dma_wait3A_159 = tpu.memref_slice %arg6[%dma_wait3A_156, %dma_wait3A_157, %dma_wait3A_158] : memref<4x128x128xf32, #tpu.memory_space<vmem>> -> memref<1x128x128xf32, #tpu.memory_space<vmem>>
    %dma_wait3A_160 = tpu.memref_squeeze %dma_wait3A_159 : memref<1x128x128xf32, #tpu.memory_space<vmem>> -> memref<128x128xf32, #tpu.memory_space<vmem>>
    %dma_wait3A_161 = arith.constant 0 : i32
    %dma_wait3A_162 = tpu.memref_slice %arg5[%dma_wait3A_155, %dma_wait3A_161] : memref<8x128xi32, #tpu.memory_space<vmem>> -> memref<1x128xi32, #tpu.memory_space<vmem>>
    %dma_wait3A_163 = tpu.memref_squeeze %dma_wait3A_162 : memref<1x128xi32, #tpu.memory_space<vmem>> -> memref<128xi32, #tpu.memory_space<vmem>>
    %dma_wait3A_164 = arith.constant 0 : i32
    %dma_wait3A_165 = arith.constant 0 : i32
    %dma_wait3A_166 = tpu.memref_slice %arg2[%dma_wait3A_164, %dma_wait3A_165] : memref<1024x128xf32, #tpu.memory_space<hbm>> -> memref<1024x128xf32, #tpu.memory_space<hbm>>
    tpu.wait_indirect_dma semaphore(%arg7 : memref<!tpu.dma_semaphore, #tpu.memory_space<semaphore_mem>>) src(%dma_wait3A_166 : memref<1024x128xf32, #tpu.memory_space<hbm>>) dst(%dma_wait3A_160 : memref<128x128xf32, #tpu.memory_space<vmem>>)
    %dma_wait3A_167 = arith.constant 6 : i32
    %dma_wait3A_168 = arith.constant 2 : i32
    %dma_wait3A_169 = arith.constant 0 : i32
    %dma_wait3A_170 = arith.constant 0 : i32
    %dma_wait3A_171 = tpu.memref_slice %arg6[%dma_wait3A_168, %dma_wait3A_169, %dma_wait3A_170] : memref<4x128x128xf32, #tpu.memory_space<vmem>> -> memref<1x128x128xf32, #tpu.memory_space<vmem>>
    %dma_wait3A_172 = tpu.memref_squeeze %dma_wait3A_171 : memref<1x128x128xf32, #tpu.memory_space<vmem>> -> memref<128x128xf32, #tpu.memory_space<vmem>>
    %dma_wait3A_173 = arith.constant 0 : i32
    %dma_wait3A_174 = tpu.memref_slice %arg5[%dma_wait3A_167, %dma_wait3A_173] : memref<8x128xi32, #tpu.memory_space<vmem>> -> memref<1x128xi32, #tpu.memory_space<vmem>>
    %dma_wait3A_175 = tpu.memref_squeeze %dma_wait3A_174 : memref<1x128xi32, #tpu.memory_space<vmem>> -> memref<128xi32, #tpu.memory_space<vmem>>
    %dma_wait3A_176 = arith.constant 0 : i32
    %dma_wait3A_177 = arith.constant 0 : i32
    %dma_wait3A_178 = tpu.memref_slice %arg2[%dma_wait3A_176, %dma_wait3A_177] : memref<1024x128xf32, #tpu.memory_space<hbm>> -> memref<1024x128xf32, #tpu.memory_space<hbm>>
    tpu.wait_indirect_dma semaphore(%arg7 : memref<!tpu.dma_semaphore, #tpu.memory_space<semaphore_mem>>) src(%dma_wait3A_178 : memref<1024x128xf32, #tpu.memory_space<hbm>>) dst(%dma_wait3A_172 : memref<128x128xf32, #tpu.memory_space<vmem>>)
    %dma_wait3A_179 = arith.constant 7 : i32
    %dma_wait3A_180 = arith.constant 3 : i32
    %dma_wait3A_181 = arith.constant 0 : i32
    %dma_wait3A_182 = arith.constant 0 : i32
    %dma_wait3A_183 = tpu.memref_slice %arg6[%dma_wait3A_180, %dma_wait3A_181, %dma_wait3A_182] : memref<4x128x128xf32, #tpu.memory_space<vmem>> -> memref<1x128x128xf32, #tpu.memory_space<vmem>>
    %dma_wait3A_184 = tpu.memref_squeeze %dma_wait3A_183 : memref<1x128x128xf32, #tpu.memory_space<vmem>> -> memref<128x128xf32, #tpu.memory_space<vmem>>
    %dma_wait3A_185 = arith.constant 0 : i32
    %dma_wait3A_186 = tpu.memref_slice %arg5[%dma_wait3A_179, %dma_wait3A_185] : memref<8x128xi32, #tpu.memory_space<vmem>> -> memref<1x128xi32, #tpu.memory_space<vmem>>
    %dma_wait3A_187 = tpu.memref_squeeze %dma_wait3A_186 : memref<1x128xi32, #tpu.memory_space<vmem>> -> memref<128xi32, #tpu.memory_space<vmem>>
    %dma_wait3A_188 = arith.constant 0 : i32
    %dma_wait3A_189 = arith.constant 0 : i32
    %dma_wait3A_190 = tpu.memref_slice %arg2[%dma_wait3A_188, %dma_wait3A_189] : memref<1024x128xf32, #tpu.memory_space<hbm>> -> memref<1024x128xf32, #tpu.memory_space<hbm>>
    tpu.wait_indirect_dma semaphore(%arg7 : memref<!tpu.dma_semaphore, #tpu.memory_space<semaphore_mem>>) src(%dma_wait3A_190 : memref<1024x128xf32, #tpu.memory_space<hbm>>) dst(%dma_wait3A_184 : memref<128x128xf32, #tpu.memory_space<vmem>>)
    "tpu.region"() ({
      %run_scoped3A = tpu.sem_alloc : memref<!tpu.dma_semaphore, #tpu.memory_space<semaphore_mem>>
      %dma_start3A_191 = arith.constant 4 : i32
      %dma_start3A_192 = arith.constant 0 : i32
      %dma_start3A_193 = arith.constant 0 : i32
      %dma_start3A_194 = tpu.memref_slice %arg4[%add3A, %dma_start3A_191, %dma_start3A_192, %dma_start3A_193] : memref<32x8x128x128xf32, #tpu.memory_space<hbm>> -> memref<1x4x128x128xf32, #tpu.memory_space<hbm>>
      %dma_start3A_195 = tpu.memref_squeeze %dma_start3A_194 : memref<1x4x128x128xf32, #tpu.memory_space<hbm>> -> memref<4x128x128xf32, #tpu.memory_space<hbm>>
      %dma_start3A_196 = arith.constant 4 : i32
      %dma_start3A_197 = arith.constant 0 : i32
      %dma_start3A_198 = arith.constant 0 : i32
      %dma_start3A_199 = tpu.memref_slice %arg4[%add3A, %dma_start3A_196, %dma_start3A_197, %dma_start3A_198] : memref<32x8x128x128xf32, #tpu.memory_space<hbm>> -> memref<1x4x128x128xf32, #tpu.memory_space<hbm>>
      %dma_start3A_200 = tpu.memref_squeeze %dma_start3A_199 : memref<1x4x128x128xf32, #tpu.memory_space<hbm>> -> memref<4x128x128xf32, #tpu.memory_space<hbm>>
      tpu.enqueue_dma source(%arg6 : memref<4x128x128xf32, #tpu.memory_space<vmem>>) target(%dma_start3A_200 : memref<4x128x128xf32, #tpu.memory_space<hbm>>) target_semaphore(%run_scoped3A : memref<!tpu.dma_semaphore, #tpu.memory_space<semaphore_mem>>)
      %dma_wait3A_201 = arith.constant 4 : i32
      %dma_wait3A_202 = arith.constant 0 : i32
      %dma_wait3A_203 = arith.constant 0 : i32
      %dma_wait3A_204 = tpu.memref_slice %arg4[%add3A, %dma_wait3A_201, %dma_wait3A_202, %dma_wait3A_203] : memref<32x8x128x128xf32, #tpu.memory_space<hbm>> -> memref<1x4x128x128xf32, #tpu.memory_space<hbm>>
      %dma_wait3A_205 = tpu.memref_squeeze %dma_wait3A_204 : memref<1x4x128x128xf32, #tpu.memory_space<hbm>> -> memref<4x128x128xf32, #tpu.memory_space<hbm>>
      %dma_wait3A_206 = arith.constant 4 : i32
      %dma_wait3A_207 = arith.constant 0 : i32
      %dma_wait3A_208 = arith.constant 0 : i32
      %dma_wait3A_209 = tpu.memref_slice %arg4[%add3A, %dma_wait3A_206, %dma_wait3A_207, %dma_wait3A_208] : memref<32x8x128x128xf32, #tpu.memory_space<hbm>> -> memref<1x4x128x128xf32, #tpu.memory_space<hbm>>
      %dma_wait3A_210 = tpu.memref_squeeze %dma_wait3A_209 : memref<1x4x128x128xf32, #tpu.memory_space<hbm>> -> memref<4x128x128xf32, #tpu.memory_space<hbm>>
      tpu.wait_dma2 semaphore(%run_scoped3A : memref<!tpu.dma_semaphore, #tpu.memory_space<semaphore_mem>>) src(%arg6 : memref<4x128x128xf32, #tpu.memory_space<vmem>>) dst(%dma_wait3A_210 : memref<4x128x128xf32, #tpu.memory_space<hbm>>)
      tpu.yield
    }) : () -> ()
    return
  }
}

module attributes {stable_mosaic.version = 14 : i64} {
  func.func @_tc_body(%arg0: i32, %arg1: memref<512x64xf32, #tpu.memory_space<vmem>>, %arg2: memref<1024x64xf32, #tpu.memory_space<vmem>>, %arg3: memref<1x1024xf32, #tpu.memory_space<vmem>>, %arg4: memref<1x1024xf32, #tpu.memory_space<vmem>>, %arg5: memref<1x8x128xi32, #tpu.memory_space<vmem>>, %arg6: memref<1x1xf32, #tpu.memory_space<vmem>>, %arg7: memref<1x1xf32, #tpu.memory_space<vmem>>) attributes {dimension_semantics = [#tpu.dimension_semantics<arbitrary>], iteration_bounds = array<i64: 64>, scalar_prefetch = 0 : i64, scratch_operands = 1 : i64, tpu.core_type = #tpu.core_type<tc>, window_params = [{transform_indices = @transform_0, window_bounds = array<i64: 512, 64>}, {pipeline_mode = #tpu.pipeline_mode<synchronous>, transform_indices = @transform_1, window_bounds = array<i64: 1024, 64>}, {pipeline_mode = #tpu.pipeline_mode<synchronous>, transform_indices = @transform_2, window_bounds = array<i64: 1, 1024>}, {pipeline_mode = #tpu.pipeline_mode<synchronous>, transform_indices = @transform_3, window_bounds = array<i64: 1, 1024>}, {transform_indices = @transform_4, window_bounds = array<i64: 1, 8, 128>}, {pipeline_mode = #tpu.pipeline_mode<synchronous>, transform_indices = @transform_5, window_bounds = array<i64: 1, 1>}]} {
    %eq3A = arith.constant 0 : i32
    %eq3A_0 = arith.cmpi eq, %arg0, %eq3A : i32
    %convert_element_type3A = arith.extui %eq3A_0 : i1 to i32
    %cond3A = arith.constant 0 : i32
    %cond3A_1 = arith.cmpi ne, %convert_element_type3A, %cond3A : i32
    scf.if %cond3A_1 {
      %broadcast_in_dim3A_72 = arith.constant 0.000000e+00 : f32
      %broadcast_in_dim3A_73 = vector.broadcast %broadcast_in_dim3A_72 : f32 to vector<1x1xf32>
      %swap3A_74 = arith.constant 0 : index
      %swap3A_75 = arith.constant 0 : index
      %swap3A_76 = vector.load %arg7[%swap3A_74, %swap3A_75] : memref<1x1xf32, #tpu.memory_space<vmem>>, vector<1x1xf32>
      tpu.vector_store %arg7[%swap3A_74, %swap3A_75], %broadcast_in_dim3A_73 {strides = array<i32>} : memref<1x1xf32, #tpu.memory_space<vmem>>, vector<1x1xf32>,
    } else {
    }
    %get3A = arith.constant 0 : index
    %get3A_2 = arith.constant 0 : index
    %get3A_3 = vector.load %arg1[%get3A, %get3A_2] : memref<512x64xf32, #tpu.memory_space<vmem>>, vector<512x64xf32>
    %mul3A = arith.mulf %get3A_3, %get3A_3 : vector<512x64xf32>
    %reduce_sum3A = arith.constant dense<0.000000e+00> : vector<512xf32>
    %reduce_sum3A_4 = vector.multi_reduction <add>, %mul3A, %reduce_sum3A [1] : vector<512x64xf32> to vector<512xf32>
    %broadcast_in_dim3A = vector.shape_cast %reduce_sum3A_4 : vector<512xf32> to vector<512x1xf32>
    %sqrt3A = math.sqrt %broadcast_in_dim3A : vector<512x1xf32>
    %max3A = arith.constant 9.99999996E-13 : f32
    %max3A_5 = vector.broadcast %max3A : f32 to vector<512x1xf32>
    %max3A_6 = arith.maximumf %sqrt3A, %max3A_5 : vector<512x1xf32>
    %div3A = vector.broadcast %max3A_6 : vector<512x1xf32> to vector<512x64xf32>
    %div3A_7 = arith.divf %get3A_3, %div3A : vector<512x64xf32>
    %mul3A_8 = arith.mulf %div3A_7, %div3A_7 : vector<512x64xf32>
    %reduce_sum3A_9 = arith.constant dense<0.000000e+00> : vector<512xf32>
    %reduce_sum3A_10 = vector.multi_reduction <add>, %mul3A_8, %reduce_sum3A_9 [1] : vector<512x64xf32> to vector<512xf32>
    %broadcast_in_dim3A_11 = vector.shape_cast %reduce_sum3A_10 : vector<512xf32> to vector<512x1xf32>
    %get3A_12 = arith.constant 0 : index
    %get3A_13 = arith.constant 0 : index
    %get3A_14 = vector.load %arg2[%get3A_12, %get3A_13] : memref<1024x64xf32, #tpu.memory_space<vmem>>, vector<1024x64xf32>
    %dot_general3A = arith.constant dense<0.000000e+00> : vector<512x1024xf32>
    %dot_general3A_15 = tpu.matmul %div3A_7, %get3A_14, %dot_general3A {dimension_numbers = #tpu.dot_dimension_numbers<[1], [1], [0], [0], [0, 0, 1, 0], [], []>, transpose_lhs_hint = false} : vector<512x64xf32>, vector<1024x64xf32>, vector<512x1024xf32> -> vector<512x1024xf32>
    %mul3A_16 = arith.constant 2.000000e+00 : f32
    %mul3A_17 = vector.broadcast %mul3A_16 : f32 to vector<512x1024xf32>
    %mul3A_18 = arith.mulf %mul3A_17, %dot_general3A_15 : vector<512x1024xf32>
    %sub3A = vector.broadcast %broadcast_in_dim3A_11 : vector<512x1xf32> to vector<512x1024xf32>
    %sub3A_19 = arith.subf %sub3A, %mul3A_18 : vector<512x1024xf32>
    %get3A_20 = arith.constant 0 : index
    %get3A_21 = arith.constant 0 : index
    %get3A_22 = vector.load %arg3[%get3A_20, %get3A_21] : memref<1x1024xf32, #tpu.memory_space<vmem>>, vector<1x1024xf32>
    %add3A = vector.broadcast %get3A_22 : vector<1x1024xf32> to vector<512x1024xf32>
    %add3A_23 = arith.addf %sub3A_19, %add3A : vector<512x1024xf32>
    %reduce_min3A = arith.constant dense<0x7F800000> : vector<512xf32>
    %reduce_min3A_24 = vector.multi_reduction <minimumf>, %add3A_23, %reduce_min3A [1] : vector<512x1024xf32> to vector<512xf32>
    %broadcast_in_dim3A_25 = vector.shape_cast %reduce_min3A_24 : vector<512xf32> to vector<512x1xf32>
    %eq3A_26 = vector.broadcast %broadcast_in_dim3A_25 : vector<512x1xf32> to vector<512x1024xf32>
    %eq3A_27 = arith.cmpf oeq, %add3A_23, %eq3A_26 : vector<512x1024xf32>
    %get3A_28 = arith.constant 0 : index
    %get3A_29 = arith.constant 0 : index
    %get3A_30 = vector.load %arg4[%get3A_28, %get3A_29] : memref<1x1024xf32, #tpu.memory_space<vmem>>, vector<1x1024xf32>
    %jit3A = arith.constant 0x7F800000 : f32
    %broadcast_in_dim3A_31 = vector.shape_cast %get3A_30 : vector<1x1024xf32> to vector<1x1024xf32>
    %broadcast_in_dim3A_32 = vector.broadcast %broadcast_in_dim3A_31 : vector<1x1024xf32> to vector<512x1024xf32>
    %broadcast_in_dim3A_33 = vector.broadcast %jit3A : f32 to vector<512x1024xf32>
    %select_n3A = arith.select %eq3A_27, %broadcast_in_dim3A_32, %broadcast_in_dim3A_33 : vector<512x1024xi1>, vector<512x1024xf32>
    %reduce_min3A_34 = arith.constant dense<0x7F800000> : vector<512xf32>
    %reduce_min3A_35 = vector.multi_reduction <minimumf>, %select_n3A, %reduce_min3A_34 [1] : vector<512x1024xf32> to vector<512xf32>
    %broadcast_in_dim3A_36 = vector.shape_cast %reduce_min3A_35 : vector<512xf32> to vector<512x1xf32>
    %convert_element_type3A_37 = arith.fptosi %broadcast_in_dim3A_36 : vector<512x1xf32> to vector<512x1xi32>
    %reshape3A = vector.shape_cast %convert_element_type3A_37 : vector<512x1xi32> to vector<1x4x128xi32>
    %squeeze3A = vector.shape_cast %reshape3A : vector<1x4x128xi32> to vector<4x128xi32>
    %jit3A_38 = arith.constant 2 : i32
    %eq3A_39 = arith.constant 0 : i32
    %eq3A_40 = arith.cmpi eq, %jit3A_38, %eq3A_39 : i32
    %jit3A_41 = arith.constant 1 : i32
    %select_n3A_42 = arith.select %eq3A_40, %jit3A_41, %jit3A_38 : i32
    %rem3A = arith.remsi %arg0, %select_n3A_42 : i32
    %ne3A = arith.constant 0 : i32
    %ne3A_43 = arith.cmpi ne, %rem3A, %ne3A : i32
    %lt3A = arith.constant 0 : i32
    %lt3A_44 = arith.cmpi slt, %rem3A, %lt3A : i32
    %lt3A_45 = arith.constant 0 : i32
    %lt3A_46 = arith.cmpi slt, %select_n3A_42, %lt3A_45 : i32
    %ne3A_47 = arith.xori %lt3A_44, %lt3A_46 : i1
    %and3A = arith.andi %ne3A_47, %ne3A_43 : i1
    %add3A_48 = arith.addi %rem3A, %select_n3A_42 : i32
    %select_n3A_49 = arith.select %and3A, %add3A_48, %rem3A : i32
    %mul3A_50 = arith.constant 4 : i32
    %mul3A_51 = arith.muli %select_n3A_49, %mul3A_50 : i32
    %swap3A = arith.constant 0 : index
    %swap3A_52 = arith.index_cast %mul3A_51 : i32 to index
    %swap3A_53 = arith.constant 0 : index
    %swap3A_54 = vector.load %arg5[%swap3A, %swap3A_52, %swap3A_53] : memref<1x8x128xi32, #tpu.memory_space<vmem>>, vector<1x4x128xi32>
    %swap3A_55 = vector.shape_cast %swap3A_54 : vector<1x4x128xi32> to vector<4x128xi32>
    %swap3A_56 = vector.shape_cast %squeeze3A : vector<4x128xi32> to vector<1x4x128xi32>
    tpu.vector_store %arg5[%swap3A, %swap3A_52, %swap3A_53], %swap3A_56 {strides = array<i32>} : memref<1x8x128xi32, #tpu.memory_space<vmem>>, vector<1x4x128xi32>,
    %get3A_57 = arith.constant 0 : index
    %get3A_58 = arith.constant 0 : index
    %get3A_59 = vector.load %arg7[%get3A_57, %get3A_58] : memref<1x1xf32, #tpu.memory_space<vmem>>, vector<1x1xf32>
    %reduce_sum3A_60 = arith.constant dense<0.000000e+00> : vector<1xf32>
    %reduce_sum3A_61 = vector.multi_reduction <add>, %broadcast_in_dim3A_25, %reduce_sum3A_60 [0] : vector<512x1xf32> to vector<1xf32>
    %broadcast_in_dim3A_62 = vector.shape_cast %reduce_sum3A_61 : vector<1xf32> to vector<1x1xf32>
    %add3A_63 = arith.addf %get3A_59, %broadcast_in_dim3A_62 : vector<1x1xf32>
    %swap3A_64 = arith.constant 0 : index
    %swap3A_65 = arith.constant 0 : index
    %swap3A_66 = vector.load %arg7[%swap3A_64, %swap3A_65] : memref<1x1xf32, #tpu.memory_space<vmem>>, vector<1x1xf32>
    tpu.vector_store %arg7[%swap3A_64, %swap3A_65], %add3A_63 {strides = array<i32>} : memref<1x1xf32, #tpu.memory_space<vmem>>, vector<1x1xf32>,
    %eq3A_67 = arith.constant 63 : i32
    %eq3A_68 = arith.cmpi eq, %arg0, %eq3A_67 : i32
    %convert_element_type3A_69 = arith.extui %eq3A_68 : i1 to i32
    %cond3A_70 = arith.constant 0 : i32
    %cond3A_71 = arith.cmpi ne, %convert_element_type3A_69, %cond3A_70 : i32
    scf.if %cond3A_71 {
      %get3A_72 = arith.constant 0 : index
      %get3A_73 = arith.constant 0 : index
      %get3A_74 = vector.load %arg7[%get3A_72, %get3A_73] : memref<1x1xf32, #tpu.memory_space<vmem>>, vector<1x1xf32>
      %mul3A_75 = arith.constant 9.53674316E-7 : f32
      %mul3A_76 = vector.broadcast %mul3A_75 : f32 to vector<1x1xf32>
      %mul3A_77 = arith.mulf %get3A_74, %mul3A_76 : vector<1x1xf32>
      %swap3A_78 = arith.constant 0 : index
      %swap3A_79 = arith.constant 0 : index
      %swap3A_80 = vector.load %arg6[%swap3A_78, %swap3A_79] : memref<1x1xf32, #tpu.memory_space<vmem>>, vector<1x1xf32>
      tpu.vector_store %arg6[%swap3A_78, %swap3A_79], %mul3A_77 {strides = array<i32>} : memref<1x1xf32, #tpu.memory_space<vmem>>, vector<1x1xf32>,
    } else {
    }
    return
  }
  func.func @transform_0(%arg0: i32) -> (i32, i32) {
    %c0_i32 = arith.constant 0 : i32
    %c0_i32_0 = arith.constant 0 : i32
    return %arg0, %c0_i32 : i32, i32
  }
  func.func @transform_1(%arg0: i32) -> (i32, i32) {
    %c0_i32 = arith.constant 0 : i32
    %c0_i32_0 = arith.constant 0 : i32
    %c0_i32_1 = arith.constant 0 : i32
    return %c0_i32, %c0_i32_0 : i32, i32
  }
  func.func @transform_2(%arg0: i32) -> (i32, i32) {
    %c0_i32 = arith.constant 0 : i32
    %c0_i32_0 = arith.constant 0 : i32
    %c0_i32_1 = arith.constant 0 : i32
    return %c0_i32, %c0_i32_0 : i32, i32
  }
  func.func @transform_3(%arg0: i32) -> (i32, i32) {
    %c0_i32 = arith.constant 0 : i32
    %c0_i32_0 = arith.constant 0 : i32
    %c0_i32_1 = arith.constant 0 : i32
    return %c0_i32, %c0_i32_0 : i32, i32
  }
  func.func @transform_4(%arg0: i32) -> (i32, i32, i32) {
    %jit3A = arith.constant 2 : i32
    %div3A = arith.divsi %arg0, %jit3A : i32
    %sign3A = arith.constant 0 : i32
    %sign3A_0 = arith.cmpi sgt, %arg0, %sign3A : i32
    %sign3A_1 = arith.extui %sign3A_0 : i1 to i32
    %sign3A_2 = arith.constant 0 : i32
    %sign3A_3 = arith.cmpi slt, %arg0, %sign3A_2 : i32
    %sign3A_4 = arith.extui %sign3A_3 : i1 to i32
    %sign3A_5 = arith.subi %sign3A_1, %sign3A_4 : i32
    %sign3A_6 = arith.constant 0 : i32
    %sign3A_7 = arith.cmpi sgt, %jit3A, %sign3A_6 : i32
    %sign3A_8 = arith.extui %sign3A_7 : i1 to i32
    %sign3A_9 = arith.constant 0 : i32
    %sign3A_10 = arith.cmpi slt, %jit3A, %sign3A_9 : i32
    %sign3A_11 = arith.extui %sign3A_10 : i1 to i32
    %sign3A_12 = arith.subi %sign3A_8, %sign3A_11 : i32
    %ne3A = arith.cmpi ne, %sign3A_5, %sign3A_12 : i32
    %rem3A = arith.remsi %arg0, %jit3A : i32
    %ne3A_13 = arith.constant 0 : i32
    %ne3A_14 = arith.cmpi ne, %rem3A, %ne3A_13 : i32
    %and3A = arith.andi %ne3A, %ne3A_14 : i1
    %sub3A = arith.constant 1 : i32
    %sub3A_15 = arith.subi %div3A, %sub3A : i32
    %select_n3A = arith.select %and3A, %sub3A_15, %div3A : i32
    %c0_i32 = arith.constant 0 : i32
    %c0_i32_16 = arith.constant 0 : i32
    %c0_i32_17 = arith.constant 0 : i32
    return %select_n3A, %c0_i32, %c0_i32_16 : i32, i32, i32
  }
  func.func @transform_5(%arg0: i32) -> (i32, i32) {
    %c0_i32 = arith.constant 0 : i32
    %c0_i32_0 = arith.constant 0 : i32
    %c0_i32_1 = arith.constant 0 : i32
    return %c0_i32, %c0_i32_0 : i32, i32
  }
}

module attributes {stable_mosaic.version = 14 : i64} {
  func.func @_prep_body(%arg0: memref<1024x64xf32, #tpu.memory_space<vmem>>, %arg1: memref<1024x64xf32, #tpu.memory_space<vmem>>, %arg2: memref<1024x128xf32, #tpu.memory_space<vmem>>, %arg3: memref<1x1024xf32, #tpu.memory_space<vmem>>, %arg4: memref<1x1024xf32, #tpu.memory_space<vmem>>) attributes {dimension_semantics = [], scalar_prefetch = 0 : i64, scratch_operands = 0 : i64, tpu.core_type = #tpu.core_type<tc>} {
    %get3A = arith.constant 0 : index
    %get3A_0 = arith.constant 0 : index
    %get3A_1 = vector.load %arg0[%get3A, %get3A_0] : memref<1024x64xf32, #tpu.memory_space<vmem>>, vector<1024x64xf32>
    %mul3A = arith.mulf %get3A_1, %get3A_1 : vector<1024x64xf32>
    %reduce_sum3A = arith.constant dense<0.000000e+00> : vector<1024xf32>
    %reduce_sum3A_2 = vector.multi_reduction <add>, %mul3A, %reduce_sum3A [1] : vector<1024x64xf32> to vector<1024xf32>
    %broadcast_in_dim3A = vector.shape_cast %reduce_sum3A_2 : vector<1024xf32> to vector<1024x1xf32>
    %sqrt3A = math.sqrt %broadcast_in_dim3A : vector<1024x1xf32>
    %max3A = arith.constant 9.99999996E-13 : f32
    %max3A_3 = vector.broadcast %max3A : f32 to vector<1024x1xf32>
    %max3A_4 = arith.maximumf %sqrt3A, %max3A_3 : vector<1024x1xf32>
    %div3A = vector.broadcast %max3A_4 : vector<1024x1xf32> to vector<1024x64xf32>
    %div3A_5 = arith.divf %get3A_1, %div3A : vector<1024x64xf32>
    %swap3A = arith.constant 0 : index
    %swap3A_6 = arith.constant 0 : index
    %swap3A_7 = vector.load %arg1[%swap3A, %swap3A_6] : memref<1024x64xf32, #tpu.memory_space<vmem>>, vector<1024x64xf32>
    tpu.vector_store %arg1[%swap3A, %swap3A_6], %div3A_5 {strides = array<i32>} : memref<1024x64xf32, #tpu.memory_space<vmem>>, vector<1024x64xf32>,
    %broadcast_in_dim3A_8 = arith.constant 0.000000e+00 : f32
    %broadcast_in_dim3A_9 = vector.broadcast %broadcast_in_dim3A_8 : f32 to vector<1024x64xf32>
    %concatenate3A = tpu.concatenate %div3A_5, %broadcast_in_dim3A_9 in 1 : vector<1024x64xf32>, vector<1024x64xf32> -> vector<1024x128xf32>
    %swap3A_10 = arith.constant 0 : index
    %swap3A_11 = arith.constant 0 : index
    %swap3A_12 = vector.load %arg2[%swap3A_10, %swap3A_11] : memref<1024x128xf32, #tpu.memory_space<vmem>>, vector<1024x128xf32>
    tpu.vector_store %arg2[%swap3A_10, %swap3A_11], %concatenate3A {strides = array<i32>} : memref<1024x128xf32, #tpu.memory_space<vmem>>, vector<1024x128xf32>,
    %mul3A_13 = arith.mulf %div3A_5, %div3A_5 : vector<1024x64xf32>
    %reduce_sum3A_14 = arith.constant dense<0.000000e+00> : vector<1024xf32>
    %reduce_sum3A_15 = vector.multi_reduction <add>, %mul3A_13, %reduce_sum3A_14 [1] : vector<1024x64xf32> to vector<1024xf32>
    %broadcast_in_dim3A_16 = vector.shape_cast %reduce_sum3A_15 : vector<1024xf32> to vector<1024x1xf32>
    %transpose3A = tpu.transpose %broadcast_in_dim3A_16, [1, 0] : vector<1024x1xf32> -> vector<1x1024xf32>
    %swap3A_17 = arith.constant 0 : index
    %swap3A_18 = arith.constant 0 : index
    %swap3A_19 = vector.load %arg3[%swap3A_17, %swap3A_18] : memref<1x1024xf32, #tpu.memory_space<vmem>>, vector<1x1024xf32>
    tpu.vector_store %arg3[%swap3A_17, %swap3A_18], %transpose3A {strides = array<i32>} : memref<1x1024xf32, #tpu.memory_space<vmem>>, vector<1x1024xf32>,
    %iota3A = tpu.iota {dimensions = array<i32: 1>} : vector<1x1024xi32>
    %convert_element_type3A = arith.sitofp %iota3A : vector<1x1024xi32> to vector<1x1024xf32>
    %swap3A_20 = arith.constant 0 : index
    %swap3A_21 = arith.constant 0 : index
    %swap3A_22 = vector.load %arg4[%swap3A_20, %swap3A_21] : memref<1x1024xf32, #tpu.memory_space<vmem>>, vector<1x1024xf32>
    tpu.vector_store %arg4[%swap3A_20, %swap3A_21], %convert_element_type3A {strides = array<i32>} : memref<1x1024xf32, #tpu.memory_space<vmem>>, vector<1x1024xf32>,
    return
  }
}

</mosaic_0001>

<sc_bundles>
// kernel: kernel.5.cloned.1.call-start
scs
__scs_entry_jumppad:
0x0: {  	(pc) =	sbr.rel $0x88, $3  }
0x1: {  	(tag) =	ssettag $0x0;
	lr =	simm.s32 $0x1  }
0x2: {  	[smem:$0x3F9F] =	sst lr;
	_ =	strace $0xD0000000  }
0x3: {  	_ = 	snop  }
0x4: {  	_ = 	snop  }
0x5: {  	_ = 	snop  }
0x6: {  	_ = 	snop  }
0x7: {  	_ = 	snop  }
__scs_overlays_trampoline_lowered:
0x8: {  	[smem:$0x3FAE] =	sst s0  }
0x9: {  	[smem:$0x3FAF] =	sst s1  }
0xa: {  	[smem:$0x3FB0] =	sst s2  }
0xb: {  	[smem:$0x3FB1] =	sst s3  }
0xc: {  	[smem:$0x3FB2] =	sst s4  }
0xd: {  	[smem:$0x3FB3] =	sst s5  }
0xe: {  	[smem:$0x3FB4] =	sst s6  }
0xf: {  	[smem:$0x3FB5] =	sst s7  }
0x10: {  	[smem:$0x3FB6] =	sst s8  }
0x11: {  	[smem:$0x3FB7] =	sst s9;
	s0 =	simm.s32 @!p0 $0x0  }
0x12: {  	s1 =	sld [smem:$0x3F9D];
	s0 =	simm.s32 @p0 $0x1  }
0x13: {  	[smem:$0x3FB8] =	sst s0;
	s0 =	simm.s32 @!p1 $0x0  }
0x14: {  	s2 =	sld [smem:$0x3F9C];
	s0 =	simm.s32 @p1 $0x1  }
0x15: {  	[smem:$0x3FB9] =	sst s0;
	s0 =	simm.s32 @!p2 $0x0  }
0x16: {  	s3 =	sld [smem:$0x3FDB];
	s0 =	simm.s32 @p2 $0x1  }
0x17: {  	s4 =	simm.s32 $0x1BF5;
	[smem:$0x3FBB] =	sst s0  }
0x18: {  	s0 =	sld [smem:$0x3F9E];
	_ =	swait.ge [sflag:s4], $0x0  }
0x19: {  	s7 =	sld [smem:$0x3F9F]  }
0x1a: {  	s8 =	sadd.s32 $0xFFFFE003, lr  }
0x1b: {  	s9 =	sadd.s32 $0xFFFFFEF7, lr;
	s5 =	simm.s32 $0xFFFFFFFF;
	p2 =	slt.u32 s8, $0xFFFFF086  }
0x1c: {  	p1 =	slt.u32 s9, $0xF7A;
	s5 =	simm.s32 @!p2 $0x0  }
0x1d: {  	s5 =	simm.s32 @p1 $0x1;
	p0 =	seq.s32 s7, s2  }
0x1e: {  	s7 =	smul.u32 @!p0 $0xF7A, s2;
	p2 =	seq.s32 @!p0 s5, $0x0  }
0x1f: {  	s9 =	smul.u32 $0xF7A, s1;
	s8 =	simm.s32 @!p0 $0x1BF5;
	p2 =	por !p2, p0  }
0x20: {  	[sflag:s8] =	ssyncset.s32 @!p0 $0xFFFFF086;
	s6 =	sadd.s32 @!p0 s3, s7;
	s7 =	simm.s32 @!p0 $0x108  }
0x21: {  	s3 =	sadd.s32 s3, s9;
	s6 =	sadd.s32 @!p0 $0x88, s6;
	s7 =	simm.s32 @p2 $0x1082  }
0x22: {  	[simem:s7], [sflag:s8] =	dma.local @!p0 [hbm:s6], $0xF7A  }
0x23: {  	s9 =	sor.u32 $0xD0000000, s2;
	s6 =	simm.s32 $0x108;
	_ =	swait.ge @!p0 [sflag:s8], $0x0  }
0x24: {  	s3 =	sadd.s32 $0x88, s3;
	s6 =	simm.s32 @!p1 $0x1082;
	[sflag:s4] =	ssyncset.s32 $0xFFFFF086  }
0x25: {  	[simem:s6], [sflag:s4] =	dma.local [hbm:s3], $0xF7A  }
0x26: {  	[smem:$0x3F9F] =	sst s1;
	(tag) =	ssettag s2;
	_ =	strace s9  }
0x27: {  	s1 =	sld [smem:$0x3FAF]  }
0x28: {  	s2 =	sld [smem:$0x3FB0]  }
0x29: {  	s4 =	sld [smem:$0x3FB2]  }
0x2a: {  	p0 =	seq.s32 s5, $0x0;
	s5 =	sld [smem:$0x3FB3]  }
0x2b: {  	s6 =	sld [smem:$0x3FB4]  }
0x2c: {  	s7 =	sld [smem:$0x3FB5]  }
0x2d: {  	s3 =	simm.s32 $0x108;
	s8 =	sld [smem:$0x3FB6]  }
0x2e: {  	s3 =	simm.s32 @!p0 $0x1082;
	s9 =	sld [smem:$0x3FB7]  }
0x2f: {  	lr =	sadd.s32 s0, s3;
	s0 =	sld [smem:$0x3FAE]  }
0x30: {  	s3 =	sld [smem:$0x3FB1]  }
0x31: {  	[smem:$0x3FBA] =	sst s10  }
0x32: {  	s10 =	sld [smem:$0x3FB8];
	_ =	sdelay $0x3  }
0x33: {  	p0 =	seq.s32 s10, $0x1;
	s10 =	sld [smem:$0x3FBA];
	_ =	sdelay $0x3  }
0x34: {  	[smem:$0x3FBA] =	sst s10  }
0x35: {  	s10 =	sld [smem:$0x3FB9];
	_ =	sdelay $0x3  }
0x36: {  	p1 =	seq.s32 s10, $0x1;
	s10 =	sld [smem:$0x3FBA];
	_ =	sdelay $0x3  }
0x37: {  	[smem:$0x3FBA] =	sst s10  }
0x38: {  	s10 =	sld [smem:$0x3FBB]  }
0x39: {  	_ = 	snop;
	(pc) =	sbr.ind lr, $3  }
0x3a: {  	_ = 	snop  }
0x3b: {  	_ = 	snop  }
0x3c: {  	p2 =	seq.s32 s10, $0x1;
	s10 =	sld [smem:$0x3FBA]  }
0x3d: {  	_ =	shalt  }
0x3e: {  	_ =	shalt  }
0x3f: {  	_ =	shalt  }
0x40: {  	_ =	shalt  }
0x41: {  	_ =	shalt  }
0x42: {  	_ =	shalt  }
0x43: {  	_ =	shalt  }
0x44: {  	_ =	shalt  }
0x45: {  	_ =	shalt  }
0x46: {  	_ =	shalt  }
0x47: {  	_ =	shalt  }
0x48: {  	_ =	shalt  }
0x49: {  	_ =	shalt  }
0x4a: {  	_ =	shalt  }
0x4b: {  	_ =	shalt  }
0x4c: {  	_ =	shalt  }
0x4d: {  	_ =	shalt  }
0x4e: {  	_ =	shalt  }
0x4f: {  	_ =	shalt  }
0x50: {  	_ =	shalt  }
0x51: {  	_ =	shalt  }
0x52: {  	_ =	shalt  }
0x53: {  	_ =	shalt  }
0x54: {  	_ =	shalt  }
0x55: {  	_ =	shalt  }
0x56: {  	_ =	shalt  }
0x57: {  	_ =	shalt  }
0x58: {  	_ =	shalt  }
0x59: {  	_ =	shalt  }
0x5a: {  	_ =	shalt  }
0x5b: {  	_ =	shalt  }
0x5c: {  	_ =	shalt  }
0x5d: {  	_ =	shalt  }
0x5e: {  	_ =	shalt  }
0x5f: {  	_ =	shalt  }
0x60: {  	_ =	shalt  }
0x61: {  	_ =	shalt  }
0x62: {  	_ =	shalt  }
0x63: {  	_ =	shalt  }
0x64: {  	_ =	shalt  }
0x65: {  	_ =	shalt  }
0x66: {  	_ =	shalt  }
0x67: {  	_ =	shalt  }
0x68: {  	_ =	shalt  }
0x69: {  	_ =	shalt  }
0x6a: {  	_ =	shalt  }
0x6b: {  	_ =	shalt  }
0x6c: {  	_ =	shalt  }
0x6d: {  	_ =	shalt  }
0x6e: {  	_ =	shalt  }
0x6f: {  	_ =	shalt  }
0x70: {  	_ =	shalt  }
0x71: {  	_ =	shalt  }
0x72: {  	_ =	shalt  }
0x73: {  	_ =	shalt  }
0x74: {  	_ =	shalt  }
0x75: {  	_ =	shalt  }
0x76: {  	_ =	shalt  }
0x77: {  	_ =	shalt  }
0x78: {  	_ =	shalt  }
0x79: {  	_ =	shalt  }
0x7a: {  	_ =	shalt  }
0x7b: {  	_ =	shalt  }
0x7c: {  	_ =	shalt  }
0x7d: {  	_ =	shalt  }
0x7e: {  	_ =	shalt  }
0x7f: {  	_ =	shalt  }
0x80: {  	_ =	shalt  }
0x81: {  	_ =	shalt  }
0x82: {  	_ =	shalt  }
0x83: {  	_ =	shalt  }
0x84: {  	_ =	shalt  }
0x85: {  	_ =	shalt  }
0x86: {  	_ =	shalt  }
0x87: {  	_ =	shalt  }
.Lfunc_end0:
.L_simem_size_0:
called_computation_lowered:
.L_overlay_start_0:
0x88: {  	s2 =	sld [smem:$0x3FD9]  }
0x89: {  	s3 =	sld [smem:$0x3FFE];
	_ =	sdelay $0x1  }
0x8a: {  	s1 =	srdreg.scid  }
0x8b: {  	s0 =	sand.u32 $0x1, s1  }
0x8c: {  	s14 =	sshll.u32 s0, $0xA;
	s2 =	sadd.s32 s3, s2  }
0x8d: {  	s2 =	sadd.s32 s2, s14  }
0x8e: {  	[smem:$0x3FC6] =	sst s2  }
0x8f: {  	_ = 	snop  }
0x90: {  	s2 =	sld [smem:$0x3FD0];
	_ =	sdelay $0x2  }
0x91: {  	s15 =	simm.s32 $0xA;
	s4 =	simm.s32 $0x10  }
0x92: {  	[smem:s4], [sflag:s15] =	dma.local [hbm:s2], $0x1  }
0x93: {  	_ =	swait.eq [sflag:s15], $0x1  }
0x94: {  	[sflag:s15] =	ssyncset.done $0x0  }
0x95: {  	[sflag:s15] =	ssyncadd.s32 $0xFFFFFFFF  }
0x96: {  	s16 =	sld [smem:$0x10];
	(tm) =	ssettm $0x1  }
0x97: {  	s17 =	sld [smem:$0x3FFB];
	_ =	sdelay $0x3  }
0x98: {  	_ =	strace s17  }
0x99: {  	s3 =	sld [smem:$0x3FFC];
	_ =	sdelay $0x3  }
0x9a: {  	_ =	strace s3  }
0x9b: {  	s3 =	sld [smem:$0x3FFD];
	_ =	sdelay $0x3  }
0x9c: {  	_ =	strace s3  }
0x9d: {  	_ =	strace $0x8FFFFFFF  }
0x9e: {  	s18 =	sld [smem:$0x3FDB];
	_ =	sdelay $0x1  }
0x9f: {  	s19 =	simm.s32 $_scs_section_size  }
0xa0: {  	s5 =	simm.s32 $_size__tile_overlayer_lowered;
	s6 =	simm.s32 $_tile_overlayer_lowered  }
0xa1: {  	s22 =	simm.s32 $0x1BFF;
	s21 =	sshll.u32 s6, $0x1;
	s3 =	sadd.s32 s19, s18  }
0xa2: {  	s7 =	simm.s32 $0x0;
	s20 =	sshll.u32 s5, $0x1;
	s5 =	sadd.s32 s21, s3  }
0xa3: {  	[timem:s7], [sflag:s22] =	dma.local [hbm:s5], s20  }
0xa4: {  	_ =	swait.ge [sflag:s22], s20  }
0xa5: {  	s4 =	ssub.s32 $0x0, s20;
	[sflag:s22] =	ssyncset.done $0x0  }
0xa6: {  	[sflag:s22] =	ssyncadd.s32 s4;
	_ =	sdelay $0x1  }
0xa7: {  	s23 =	simm.s32 $0x1B8B  }
0xa8: {  	_ =	swait.ge [sflag:s23], $0x1  }
0xa9: {  	[sflag:s23] =	ssyncset.done $0x0  }
0xaa: {  	s25 =	simm.s32 $0x1B8E;
	s24 =	sld [smem:$0x3FFE];
	[sflag:s23] =	ssyncadd.s32 $0xFFFFFFFF  }
0xab: {  	s26 =	simm.s32 $execute0_lowered;
	[smem:$0x3FD2] =	sst s25  }
0xac: {  	s5 =	sshll.u32 s26, $0x1;
	_ =	strace $0x80000046;
	[dreg:$0x1] =	wrdreg $0xFFFFFFFF  }
0xad: {  	s28 =	simm.s32 $_size_execute0_lowered;
	s3 =	sadd.s32 s3, s5;
	[dreg:$0x0] =	wrdreg $0x0  }
0xae: {  	s5 =	sshll.u32 s28, $0x1;
	[dreg:$0x2] =	wrdreg s3  }
0xaf: {  	[dreg:$0x3] =	wrdreg s5  }
0xb0: {  	[dreg:$0x4] =	wrdreg $0xC0  }
0xb1: {  	_ =	task [dreg:s7], $0x5FFFF  }
0xb2: {  	[dreg:$0x1] =	wrdreg $0xFFFFFFFF  }
0xb3: {  	[dreg:$0x0] =	wrdreg $0x60  }
0xb4: {  	[dreg:$0x2] =	wrdreg s16  }
0xb5: {  	[dreg:$0x3] =	wrdreg s24  }
0xb6: {  	[dreg:$0x4] =	wrdreg $0x9  }
0xb7: {  	_ =	task.clear_ibuf [dreg:s7], $0x5FFFF;
	_ =	strace $0x90000046  }
0xb8: {  	s29 =	simm.s32 $0x9;
	_ =	strace $0x80000048  }
0xb9: {  	_ =	swait.ge [sflag:s29], $0x1  }
0xba: {  	[sflag:s29] =	ssyncadd.s32 $0xFFFFFFFF  }
0xbb: {  	_ =	strace $0x90000048  }
0xbc: {  	_ =	sfence  }
0xbd: {  	s30 =	sld [smem:$0x0];
	_ =	sdelay $0x2  }
0xbe: {  	s31 =	sshll.u32 s1, $0xD;
	s1 =	sshrl.u32 s1, $0x2  }
0xbf: {  	s3 =	sand.u32 $0x4000, s31;
	s1 =	sadd.s32 s1, s30  }
0xc0: {  	s0 =	sor.u32 s3, s0;
	s1 =	sshll.u32 s1, $0x11  }
0xc1: {  	s0 =	sor.u32 s1, s0  }
0xc2: {  	s0 =	sadd.s32 $0x8F2B, s0  }
0xc3: {  	[sflag:s0] =	ssyncadd.remote.s32 $0x1  }
0xc4: {  	_ =	sfence.sel $0xFFFF  }
0xc5: {  	[dreg:$0x0] =	wrdreg $0xFFFFFFFF;
	(pc) =	sbr.abs _section_cstart, $3  }
0xc6: {  	[dreg:$0x1] =	wrdreg $0xFFFFFFFF  }
0xc7: {  	_ =	task.clear_ibuf [dreg:s7], $0x2FFFF;
	_ =	strace $0x9FFFFFFF  }
0xc8: {  	(tm) =	ssettm $0x7FFFFFFF  }
0xc9: {  	_ =	shalt  }
tec
execute0_lowered:
.L_overlay_start_1:
0x0: {  	(tag) =	ssettag $0x1  }
0x1: {  	s1 =	srdreg.scid;
	s0 =	stileid.u32  }
0x2: {  	s2 =	rddreg [dreg:$0x0];
	s19 =	sand.u32 $0x1, s1;
	s30 =	sshll.u32 s0, $0x1  }
0x3: {  	s14 =	rddreg [dreg:$0x1];
	s15 =	sor.u32 s19, s30  }
0x4: {  	s3 =	simm.s32 $0x0;
	s1 =	rddreg [dreg:$0x2];
	s4 =	sshll.u32 s15, $0x7  }
0x5: {  	[smem:$0x7FF] =	sst s3;
	s4 =	sadd.s32 s4, s14  }
0x6: {  	_ =	strace $0x80000047;
	s5 =	sadd.s32 $0xE00, s4;
	s4 =	simm.s32 $0x2  }
0x7: {  	[tilespmem:s3], [sflag:$0x2] =	stream.linear.gather [hbm4b:s5+s3], $0x400, $0x38;
	[tilespmem:$0x10400] =	vst v63  }
0x8: {  	_ =	swait.ge [sflag:s4], $0x400  }
0x9: {  	[sflag:s4] =	ssyncset.done $0x0  }
0xa: {  	s6 =	simm.s32 $0x80;
	s7 =	simm.s32 $0x400;
	[sflag:s4] =	ssyncadd.s32 $0xFFFFFC00  }
0xb: {  	[tilespmem:s7], [sflag:$0x1] =	stream.indirect.gather [hbm4b:s2+s6], $0x80, s3, s6, $0xb8;
	[tilespmem:$0x10400] =	vst v63  }
0xc: {  	s8 =	simm.s32 $0x4400  }
0xd: {  	[tilespmem:s8], [sflag:$0x1] =	stream.indirect.gather [hbm4b:s2+s6], $0x80, s6, s6, $0xb8;
	[tilespmem:$0x10400] =	vst v63  }
0xe: {  	s9 =	simm.s32 $0x100;
	s10 =	simm.s32 $0x8400  }
0xf: {  	[tilespmem:s10], [sflag:$0x1] =	stream.indirect.gather [hbm4b:s2+s6], $0x80, s9, s6, $0xb8;
	[tilespmem:$0x10400] =	vst v63  }
0x10: {  	s11 =	simm.s32 $0x180;
	s12 =	simm.s32 $0xC400;
	s13 =	simm.s32 $0x1  }
0x11: {  	[tilespmem:s12], [sflag:$0x1] =	stream.indirect.gather [hbm4b:s2+s6], $0x80, s11, s6, $0xb8;
	[tilespmem:$0x10400] =	vst v63  }
0x12: {  	_ =	swait.ge [sflag:s13], $0x4000  }
0x13: {  	[sflag:s13] =	ssyncset.done $0x0  }
0x14: {  	[sflag:s13] =	ssyncadd.s32 $0xFFFFC000  }
0x15: {  	_ =	swait.ge [sflag:s13], $0x4000  }
0x16: {  	[sflag:s13] =	ssyncset.done $0x0  }
0x17: {  	[sflag:s13] =	ssyncadd.s32 $0xFFFFC000  }
0x18: {  	_ =	swait.ge [sflag:s13], $0x4000  }
0x19: {  	[sflag:s13] =	ssyncset.done $0x0  }
0x1a: {  	[sflag:s13] =	ssyncadd.s32 $0xFFFFC000  }
0x1b: {  	s15 =	sshll.u32 s15, $0xE;
	_ =	swait.ge [sflag:s13], $0x4000  }
0x1c: {  	s20 =	sadd.s32 s15, s14;
	[sflag:s13] =	ssyncset.done $0x0  }
0x1d: {  	s14 =	sadd.s32 $0x1E00, s20;
	[sflag:s13] =	ssyncadd.s32 $0xFFFFC000  }
0x1e: {  	[hbm4b:s14+s3] =	stream.linear.scatter [tilespmem:s7], [sflag:$0x2], $0x10000, $0x38;
	[tilespmem:$0x10400] =	vst v63  }
0x1f: {  	_ =	swait.ge [sflag:s4], $0x10000  }
0x20: {  	[sflag:s4] =	ssyncset.done $0x0  }
0x21: {  	s15 =	simm.s32 $0x200;
	[sflag:s4] =	ssyncadd.s32 $0xFFFF0000  }
0x22: {  	[tilespmem:s7], [sflag:$0x1] =	stream.indirect.gather [hbm4b:s2+s6], $0x80, s15, s6, $0xb8;
	[tilespmem:$0x10400] =	vst v63  }
0x23: {  	s16 =	simm.s32 $0x280  }
0x24: {  	[tilespmem:s8], [sflag:$0x1] =	stream.indirect.gather [hbm4b:s2+s6], $0x80, s16, s6, $0xb8;
	[tilespmem:$0x10400] =	vst v63  }
0x25: {  	s17 =	simm.s32 $0x300  }
0x26: {  	[tilespmem:s10], [sflag:$0x1] =	stream.indirect.gather [hbm4b:s2+s6], $0x80, s17, s6, $0xb8;
	[tilespmem:$0x10400] =	vst v63  }
0x27: {  	s18 =	simm.s32 $0x380  }
0x28: {  	[tilespmem:s12], [sflag:$0x1] =	stream.indirect.gather [hbm4b:s2+s6], $0x80, s18, s6, $0xb8;
	[tilespmem:$0x10400] =	vst v63  }
0x29: {  	_ =	swait.ge [sflag:s13], $0x4000  }
0x2a: {  	[sflag:s13] =	ssyncset.done $0x0  }
0x2b: {  	[sflag:s13] =	ssyncadd.s32 $0xFFFFC000  }
0x2c: {  	_ =	swait.ge [sflag:s13], $0x4000  }
0x2d: {  	[sflag:s13] =	ssyncset.done $0x0  }
0x2e: {  	s19 =	ssub.s32 $0x2, s19;
	[sflag:s13] =	ssyncadd.s32 $0xFFFFC000  }
0x2f: {  	s21 =	sshrl.u32 s19, $0x1;
	_ =	swait.ge [sflag:s13], $0x4000  }
0x30: {  	s21 =	ssub.s32 s19, s21;
	[sflag:s13] =	ssyncset.done $0x0  }
0x31: {  	s31 =	smax.u32 s21, $0x1;
	[sflag:s13] =	ssyncadd.s32 $0xFFFFC000  }
0x32: {  	p0 =	sne.s32 s31, $0x1;
	_ =	swait.ge [sflag:s13], $0x4000  }
.Ltmp0:
0x33: {  	[sflag:s13] =	ssyncset.done $0x0;
	(pc) =	sbr.rel @!p0 .LBB2_2-.Ltmp0, $4  }
0x34: {  	s19 =	sadd.s32 $0x3E00, s20;
	[sflag:s13] =	ssyncadd.s32 $0xFFFFC000  }
0x35: {  	[hbm4b:s19+s3] =	stream.linear.scatter [tilespmem:s7], [sflag:$0x2], $0x10000, $0x38;
	[tilespmem:$0x10400] =	vst v63  }
0x36: {  	_ =	swait.ge [sflag:s4], $0x10000  }
0x37: {  	s20 =	sadd.s32 $0xFFFFFFFF, s31;
	[sflag:s4] =	ssyncset.done $0x0  }
.LBB2_1:
0x38: {  	p0 =	sne.s32 s20, $0x1;
	s20 =	sadd.s32 $0xFFFFFFFF, s20;
	[sflag:s4] =	ssyncadd.s32 $0xFFFF0000  }
0x39: {  	[tilespmem:s3], [sflag:$0x2] =	stream.linear.gather [hbm4b:s5+s3], $0x400, $0x38;
	[tilespmem:$0x10400] =	vst v63  }
0x3a: {  	_ =	swait.ge [sflag:s4], $0x400  }
0x3b: {  	[sflag:s4] =	ssyncset.done $0x0  }
0x3c: {  	[sflag:s4] =	ssyncadd.s32 $0xFFFFFC00  }
0x3d: {  	[tilespmem:s7], [sflag:$0x1] =	stream.indirect.gather [hbm4b:s2+s6], $0x80, s3, s6, $0xb8;
	[tilespmem:$0x10400] =	vst v63  }
0x3e: {  	_ = 	snop  }
0x3f: {  	[tilespmem:s8], [sflag:$0x1] =	stream.indirect.gather [hbm4b:s2+s6], $0x80, s6, s6, $0xb8;
	[tilespmem:$0x10400] =	vst v63  }
0x40: {  	_ = 	snop  }
0x41: {  	[tilespmem:s10], [sflag:$0x1] =	stream.indirect.gather [hbm4b:s2+s6], $0x80, s9, s6, $0xb8;
	[tilespmem:$0x10400] =	vst v63  }
0x42: {  	_ = 	snop  }
0x43: {  	[tilespmem:s12], [sflag:$0x1] =	stream.indirect.gather [hbm4b:s2+s6], $0x80, s11, s6, $0xb8;
	[tilespmem:$0x10400] =	vst v63  }
0x44: {  	_ =	swait.ge [sflag:s13], $0x4000  }
0x45: {  	[sflag:s13] =	ssyncset.done $0x0  }
0x46: {  	[sflag:s13] =	ssyncadd.s32 $0xFFFFC000  }
0x47: {  	_ =	swait.ge [sflag:s13], $0x4000  }
0x48: {  	[sflag:s13] =	ssyncset.done $0x0  }
0x49: {  	[sflag:s13] =	ssyncadd.s32 $0xFFFFC000  }
0x4a: {  	_ =	swait.ge [sflag:s13], $0x4000  }
0x4b: {  	[sflag:s13] =	ssyncset.done $0x0  }
0x4c: {  	[sflag:s13] =	ssyncadd.s32 $0xFFFFC000  }
0x4d: {  	_ =	swait.ge [sflag:s13], $0x4000  }
0x4e: {  	[sflag:s13] =	ssyncset.done $0x0  }
0x4f: {  	[sflag:s13] =	ssyncadd.s32 $0xFFFFC000  }
0x50: {  	[hbm4b:s14+s3] =	stream.linear.scatter [tilespmem:s7], [sflag:$0x2], $0x10000, $0x38;
	[tilespmem:$0x10400] =	vst v63  }
0x51: {  	_ =	swait.ge [sflag:s4], $0x10000  }
0x52: {  	[sflag:s4] =	ssyncset.done $0x0  }
0x53: {  	[sflag:s4] =	ssyncadd.s32 $0xFFFF0000  }
0x54: {  	[tilespmem:s7], [sflag:$0x1] =	stream.indirect.gather [hbm4b:s2+s6], $0x80, s15, s6, $0xb8;
	[tilespmem:$0x10400] =	vst v63  }
0x55: {  	_ = 	snop  }
0x56: {  	[tilespmem:s8], [sflag:$0x1] =	stream.indirect.gather [hbm4b:s2+s6], $0x80, s16, s6, $0xb8;
	[tilespmem:$0x10400] =	vst v63  }
0x57: {  	_ = 	snop  }
0x58: {  	[tilespmem:s10], [sflag:$0x1] =	stream.indirect.gather [hbm4b:s2+s6], $0x80, s17, s6, $0xb8;
	[tilespmem:$0x10400] =	vst v63  }
0x59: {  	_ = 	snop  }
0x5a: {  	[tilespmem:s12], [sflag:$0x1] =	stream.indirect.gather [hbm4b:s2+s6], $0x80, s18, s6, $0xb8;
	[tilespmem:$0x10400] =	vst v63  }
0x5b: {  	_ =	swait.ge [sflag:s13], $0x4000  }
0x5c: {  	[sflag:s13] =	ssyncset.done $0x0  }
0x5d: {  	[sflag:s13] =	ssyncadd.s32 $0xFFFFC000  }
0x5e: {  	_ =	swait.ge [sflag:s13], $0x4000  }
0x5f: {  	[sflag:s13] =	ssyncset.done $0x0  }
0x60: {  	[sflag:s13] =	ssyncadd.s32 $0xFFFFC000  }
0x61: {  	_ =	swait.ge [sflag:s13], $0x4000  }
0x62: {  	[sflag:s13] =	ssyncset.done $0x0  }
0x63: {  	[sflag:s13] =	ssyncadd.s32 $0xFFFFC000  }
0x64: {  	_ =	swait.ge [sflag:s13], $0x4000  }
.Ltmp1:
0x65: {  	[sflag:s13] =	ssyncset.done $0x0;
	(pc) =	sbr.rel @p0 .LBB2_1-.Ltmp1, $4  }
0x66: {  	[sflag:s13] =	ssyncadd.s32 $0xFFFFC000  }
0x67: {  	[hbm4b:s19+s3] =	stream.linear.scatter [tilespmem:s7], [sflag:$0x2], $0x10000, $0x38;
	[tilespmem:$0x10400] =	vst v63  }
0x68: {  	_ =	swait.ge [sflag:s4], $0x10000  }
0x69: {  	[sflag:s4] =	ssyncset.done $0x0  }
.LBB2_2:
0x6a: {  	[sflag:s4] =	ssyncadd.s32 $0xFFFF0000  }
0x6b: {  	_ =	sfence.sel $0x180000  }
0x6c: {  	[bflag:$0x0] =	sbarrier.arrive $0xFFFF  }
0x6d: {  	p0 =	sne.s32 s0, $0x0;
	_ =	strace $0x90000047  }
0x6e: {  	s0 =	sadd.s32 @!p0 $0x100000, s1;
	[bflag:$0x2] =	sbarrier.arrive $0xFFFF  }
0x6f: {  	[sflag:s0] =	ssyncadd.tile.s32 @!p0 $0x1;
	_ =	shalt  }
.Lfunc_end2:
_tile_overlayer_lowered:
.L_overlay_start_2:
0x70: {  	(tag) =	ssettag $0x2  }
0x71: {  	s0 =	rddreg [dreg:$0x0];
	s2 =	stileid.u32  }
0x72: {  	s1 =	rddreg [dreg:$0x1];
	p0 =	sne.s32 s2, $0x0  }
0x73: {  	s3 =	rddreg [dreg:$0x2];
	[bflag:$0x3] =	sbarrier.arrive $0xFFFF;
	s2 =	simm.s32 @!p0 $0x1C02  }
0x74: {  	[timem:s3], [sflag:s2] =	dma.local @!p0 [hbm:s0], s1  }
0x75: {  	s0 =	simm.s32 @!p0 $0x2  }
0x76: {  	_ =	swait.ge @!p0 [sflag:s0], s1  }
0x77: {  	s1 =	ssub.s32 @!p0 $0x0, s1;
	[sflag:s0] =	ssyncset.done @!p0 $0x0  }
0x78: {  	[sflag:s0] =	ssyncadd.s32 @!p0 s1  }
0x79: {  	[bflag:$0x3] =	sbarrier.arrive $0xFFFF  }
0x7a: {  	_ =	shalt  }

</sc_bundles>
